<compile_context>
chip_gen: v7x
topology: tpu7x:2x2x1
jax: 0.10.2.dev20260603
libtpu: 0.0.44.dev20260713+nightly
codegen_flags: <defaults>
</compile_context>

<pallas_src>
import functools

import jax
import jax.numpy as jnp
from jax import lax
from jax.experimental import pallas as pl
from jax.experimental.pallas import tpu as pltpu
from jax.experimental.pallas import tpu_sc as plsc

N = 50000
E = 800000
IN_DIM = 60
HID = 64
HHALF = HID // 2

NPAD = 50176
RT = NPAD // 16
ET = E // 16
EW = E // 32
KC = 400
NCH = ET // KC
ZR = 392

RB = 512
NB = NPAD // RB

_mesh = plsc.VectorSubcoreMesh(core_axis_name="c", subcore_axis_name="s")


def _deg_body(dst_hbm, ones_hbm, out_hbm, idx_v, ones_v, zbuf_v, acc_sh):
    c = lax.axis_index("c")
    s = lax.axis_index("s")
    w = c * 16 + s

    def _zf(i, _):
        zbuf_v[pl.ds(i * 16, 16)] = jnp.zeros((16,), jnp.float32)
        return 0

    lax.fori_loop(0, RT // 16, _zf, 0)
    pltpu.sync_copy(zbuf_v, acc_sh.at[pl.ds(s * RT, RT)])
    plsc.subcore_barrier()

    pltpu.sync_copy(ones_hbm, ones_v)
    pltpu.sync_copy(dst_hbm.at[pl.ds(w * EW, EW)], idx_v)
    pltpu.sync_copy(ones_v, acc_sh.at[idx_v], add=True)
    plsc.subcore_barrier()

    pltpu.sync_copy(acc_sh.at[pl.ds(s * RT, RT)], zbuf_v)
    pltpu.sync_copy(zbuf_v, out_hbm.at[pl.ds(c * NPAD + s * RT, RT)])


_deg = functools.partial(
    pl.kernel,
    out_type=jax.ShapeDtypeStruct((2 * NPAD,), jnp.float32),
    mesh=_mesh,
    scratch_types=[
        pltpu.VMEM((EW,), jnp.int32),
        pltpu.VMEM((EW,), jnp.float32),
        pltpu.VMEM((RT,), jnp.float32),
        pltpu.VMEM_SHARED((NPAD,), jnp.float32),
    ],
)(_deg_body)


def _agg_body(g_hbm, src2_hbm, dst_hbm, out_hbm, si_v, di_v, rows_v, sem, acc_sh):
    c = lax.axis_index("c")
    s = lax.axis_index("s")

    def _zf(i, _):
        rows_v[i, pl.ds(0, 16)] = jnp.zeros((16,), jnp.float32)
        rows_v[i, pl.ds(16, 16)] = jnp.zeros((16,), jnp.float32)
        return 0

    lax.fori_loop(0, KC, _zf, 0)

    def _zc(j, _):
        pltpu.sync_copy(rows_v.at[pl.ds(0, ZR)],
                        acc_sh.at[pl.ds(s * RT + j * ZR, ZR)])
        return 0

    lax.fori_loop(0, RT // ZR, _zc, 0)
    plsc.subcore_barrier()

    def _chunk(j, _):
        e0 = s * ET + j * KC
        pltpu.sync_copy(src2_hbm.at[pl.ds(c * E + e0, KC)], si_v)
        pltpu.sync_copy(dst_hbm.at[pl.ds(e0, KC)], di_v)
        pltpu.async_copy(g_hbm.at[si_v], rows_v, sem).wait()
        pltpu.sync_copy(rows_v, acc_sh.at[di_v], add=True)
        return 0

    lax.fori_loop(0, NCH, _chunk, 0)
    plsc.subcore_barrier()

    def _dc(j, _):
        pltpu.sync_copy(acc_sh.at[pl.ds(s * RT + j * ZR, ZR)],
                        rows_v.at[pl.ds(0, ZR)])
        pltpu.sync_copy(rows_v.at[pl.ds(0, ZR)],
                        out_hbm.at[pl.ds(c * NPAD + s * RT + j * ZR, ZR)])
        return 0

    lax.fori_loop(0, RT // ZR, _dc, 0)


_agg = functools.partial(
    pl.kernel,
    out_type=jax.ShapeDtypeStruct((2 * NPAD, HHALF), jnp.float32),
    mesh=_mesh,
    compiler_params=pltpu.CompilerParams(use_tc_tiling_on_sc=False),
    scratch_types=[
        pltpu.VMEM((KC,), jnp.int32),
        pltpu.VMEM((KC,), jnp.int32),
        pltpu.VMEM((KC, HHALF), jnp.float32),
        pltpu.SemaphoreType.DMA,
        pltpu.VMEM_SHARED((NPAD, HHALF), jnp.float32),
    ],
)(_agg_body)


def _mm1_body(x_ref, w_ref, d0_ref, d1_ref, g_ref, dinv_ref):
    deg = d0_ref[...] + d1_ref[...] + 1.0
    dinv = lax.rsqrt(deg)
    dinv_ref[...] = dinv
    h = jnp.dot(x_ref[...], w_ref[0], preferred_element_type=jnp.float32)
    g_ref[...] = h * dinv


def _mm1(x_pad, W1st, degp):
    return pl.pallas_call(
        _mm1_body,
        grid=(NB, 2),
        in_specs=[
            pl.BlockSpec((RB, IN_DIM), lambda i, c: (i, 0)),
            pl.BlockSpec((1, IN_DIM, HHALF), lambda i, c: (c, 0, 0)),
            pl.BlockSpec((RB, 1), lambda i, c: (i, 0)),
            pl.BlockSpec((RB, 1), lambda i, c: (NB + i, 0)),
        ],
        out_specs=[
            pl.BlockSpec((RB, HHALF), lambda i, c: (c * NB + i, 0)),
            pl.BlockSpec((RB, 1), lambda i, c: (i, 0)),
        ],
        out_shape=[
            jax.ShapeDtypeStruct((2 * NPAD, HHALF), jnp.float32),
            jax.ShapeDtypeStruct((NPAD, 1), jnp.float32),
        ],
    )(x_pad, W1st, degp, degp)


def _mid_body(sl_ref, sh_ref, gl_ref, gh_ref, dinv_ref, b1_ref, w2_ref, g2_ref):
    a = jnp.concatenate(
        [sl_ref[...] + gl_ref[...], sh_ref[...] + gh_ref[...]], axis=1)
    h = jnp.maximum(a * dinv_ref[...] + b1_ref[...], 0.0)
    g2_ref[...] = jnp.dot(
        h, w2_ref[0], preferred_element_type=jnp.float32) * dinv_ref[...]


def _mid(S1, g1, dinv, b1r, W2st):
    return pl.pallas_call(
        _mid_body,
        grid=(NB, 2),
        in_specs=[
            pl.BlockSpec((RB, HHALF), lambda i, c: (i, 0)),
            pl.BlockSpec((RB, HHALF), lambda i, c: (NB + i, 0)),
            pl.BlockSpec((RB, HHALF), lambda i, c: (i, 0)),
            pl.BlockSpec((RB, HHALF), lambda i, c: (NB + i, 0)),
            pl.BlockSpec((RB, 1), lambda i, c: (i, 0)),
            pl.BlockSpec((1, HID), lambda i, c: (0, 0)),
            pl.BlockSpec((1, HID, HHALF), lambda i, c: (c, 0, 0)),
        ],
        out_specs=pl.BlockSpec((RB, HHALF), lambda i, c: (c * NB + i, 0)),
        out_shape=jax.ShapeDtypeStruct((2 * NPAD, HHALF), jnp.float32),
    )(S1, S1, g1, g1, dinv, b1r, W2st)


def _out_body(sl_ref, sh_ref, gl_ref, gh_ref, dinv_ref, b2_ref, fw1_ref,
              fb1_ref, fw2_ref, fb2_ref, out_ref, h_ref):
    a = jnp.concatenate(
        [sl_ref[...] + gl_ref[...], sh_ref[...] + gh_ref[...]], axis=1)
    h = jnp.maximum(a * dinv_ref[...] + b2_ref[...], 0.0)
    h_ref[...] = h
    t = jnp.dot(h, fw1_ref[...], preferred_element_type=jnp.float32)
    t = jnp.maximum(t + fb1_ref[...], 0.0)
    out_ref[...] = jnp.dot(
        t, fw2_ref[...], preferred_element_type=jnp.float32) + fb2_ref[...]


def _out(S2, g2, dinv, b2r, fcW1, fcb1r, fcW2, fcb2r):
    return pl.pallas_call(
        _out_body,
        grid=(NB,),
        in_specs=[
            pl.BlockSpec((RB, HHALF), lambda i: (i, 0)),
            pl.BlockSpec((RB, HHALF), lambda i: (NB + i, 0)),
            pl.BlockSpec((RB, HHALF), lambda i: (i, 0)),
            pl.BlockSpec((RB, HHALF), lambda i: (NB + i, 0)),
            pl.BlockSpec((RB, 1), lambda i: (i, 0)),
            pl.BlockSpec((1, HID), lambda i: (0, 0)),
            pl.BlockSpec((HID, HHALF), lambda i: (0, 0)),
            pl.BlockSpec((1, HHALF), lambda i: (0, 0)),
            pl.BlockSpec((HHALF, 1), lambda i: (0, 0)),
            pl.BlockSpec((1, 1), lambda i: (0, 0)),
        ],
        out_specs=[
            pl.BlockSpec((RB, 1), lambda i: (i, 0)),
            pl.BlockSpec((RB, HID), lambda i: (i, 0)),
        ],
        out_shape=[
            jax.ShapeDtypeStruct((NPAD, 1), jnp.float32),
            jax.ShapeDtypeStruct((NPAD, HID), jnp.float32),
        ],
    )(S2, S2, g2, g2, dinv, b2r, fcW1, fcb1r, fcW2, fcb2r)


def kernel(x, edge_index, W1, b1, W2, b2, fcW1, fcb1, fcW2, fcb2):
    src = edge_index[0].astype(jnp.int32)
    dst = edge_index[1].astype(jnp.int32)
    src2 = jnp.concatenate([src, src + NPAD])
    ones = jnp.ones((EW,), jnp.float32)

    x_pad = jnp.pad(x, ((0, NPAD - N), (0, 0)))
    W1st = jnp.stack([W1[:, :HHALF], W1[:, HHALF:]])
    W2st = jnp.stack([W2[:, :HHALF], W2[:, HHALF:]])
    degp = _deg(dst, ones).reshape(2 * NPAD, 1)

    g1, dinv = _mm1(x_pad, W1st, degp)
    S1 = _agg(g1, src2, dst)
    g2 = _mid(S1, g1, dinv, b1.reshape(1, HID), W2st)
    S2 = _agg(g2, src2, dst)
    out_p, h_p = _out(S2, g2, dinv, b2.reshape(1, HID), fcW1,
                      fcb1.reshape(1, HHALF), fcW2, fcb2.reshape(1, 1))
    return out_p[:N], h_p[:N]

# --- scband reference (transcript-rebuilt; emitter-appended) ---
"""Pipeline reference for scband-simple-gcnforecaster-30820685316437 (READ-ONLY COPY).

The authoritative reference and input builder live on the scoring server;
editing this copy changes nothing except your own understanding.
"""

import jax, jax.numpy as jnp
import numpy as np

N = 50000
E = 800000
IN_DIM = 60
HID = 64
OUT_DIM = 1


def gcn_conv(x, edge_index, W, b):
    # Faithful PyG GCNConv: add self-loops, symmetric deg^{-1/2} normalization,
    # linear transform (no bias), scatter-add aggregation, then bias.
    n = x.shape[0]
    loop = jnp.arange(n, dtype=edge_index.dtype)
    src = jnp.concatenate([edge_index[0], loop])
    dst = jnp.concatenate([edge_index[1], loop])
    deg = jnp.zeros((n,), dtype=x.dtype).at[dst].add(1.0)
    dinv = jnp.where(deg > 0, 1.0 / jnp.sqrt(deg), 0.0)
    norm = dinv[src] * dinv[dst]
    h = x @ W
    msg = h[src] * norm[:, None]
    out = jnp.zeros((n, W.shape[1]), dtype=x.dtype).at[dst].add(msg)
    return out + b


def setup_inputs(seed: int = 0) -> dict:
    key = jax.random.key(seed)
    ks = jax.random.split(key, 10)
    x = jax.random.normal(ks[0], (N, IN_DIM), dtype=jnp.float32)
    edge_index = jax.random.randint(ks[1], (2, E), 0, N, dtype=jnp.int32)
    W1 = jax.random.normal(ks[2], (IN_DIM, HID), dtype=jnp.float32) * (1.0 / np.sqrt(IN_DIM))
    b1 = jnp.zeros((HID,), dtype=jnp.float32)
    W2 = jax.random.normal(ks[3], (HID, HID), dtype=jnp.float32) * (1.0 / np.sqrt(HID))
    b2 = jnp.zeros((HID,), dtype=jnp.float32)
    fcW1 = jax.random.normal(ks[4], (HID, HID // 2), dtype=jnp.float32) * (1.0 / np.sqrt(HID))
    fcb1 = jnp.zeros((HID // 2,), dtype=jnp.float32)
    fcW2 = jax.random.normal(ks[5], (HID // 2, OUT_DIM), dtype=jnp.float32) * (1.0 / np.sqrt(HID // 2))
    fcb2 = jnp.zeros((OUT_DIM,), dtype=jnp.float32)
    return {"x": x, "edge_index": edge_index, "W1": W1, "b1": b1, "W2": W2, "b2": b2,
            "fcW1": fcW1, "fcb1": fcb1, "fcW2": fcW2, "fcb2": fcb2}


def reference(x, edge_index, W1, b1, W2, b2, fcW1, fcb1, fcW2, fcb2):
    # Dropout layers are identity in eval mode.
    h = jax.nn.relu(gcn_conv(x, edge_index, W1, b1))
    h = jax.nn.relu(gcn_conv(h, edge_index, W2, b2))
    out = jax.nn.relu(h @ fcW1 + fcb1) @ fcW2 + fcb2
    return (out, h)

if __name__ == "__main__":
    import jax
    _d = setup_inputs()
    print(jax.jit(kernel)(*tuple(_d.values())))

</pallas_src>

<mosaic_0001>
#map = affine_map<(d0, d1) -> (0, 0)>
#map1 = affine_map<(d0, d1) -> (0)>
module attributes {stable_mosaic.version = 14 : i64} {
  func.func @_agg_body(%arg0: i32, %arg1: i32, %arg2: memref<100352x32xf32, #tpu.memory_space<hbm>>, %arg3: memref<1600000xi32, #tpu.memory_space<hbm>>, %arg4: memref<800000xi32, #tpu.memory_space<hbm>>, %arg5: memref<100352x32xf32, #tpu.memory_space<hbm>>, %arg6: memref<400xi32, #tpu.memory_space<vmem>>, %arg7: memref<400xi32, #tpu.memory_space<vmem>>, %arg8: memref<400x32xf32, #tpu.memory_space<vmem>>, %arg9: memref<!tpu.dma_semaphore, #tpu.memory_space<semaphore_mem>>, %arg10: memref<50176x32xf32, #tpu.memory_space<vmem_shared>>) attributes {dimension_semantics = [#tpu.dimension_semantics<core_parallel>, #tpu.dimension_semantics<subcore_parallel>], iteration_bounds = array<i64: 2, 16>, scalar_prefetch = 0 : i64, scratch_operands = 5 : i64, tpu.core_type = #tpu.core_type<sc_vector_subcore>, window_params = [{transform_indices = #map}, {transform_indices = #map1}, {transform_indices = #map1}, {transform_indices = #map}]} {
    %scan3A = arith.constant 0 : i32
    %scan3A_0 = arith.constant 0 : i32
    %scan3A_1 = arith.constant 400 : i32
    %scan3A_2 = arith.addi %scan3A_0, %scan3A_1 : i32
    %scan3A_3 = arith.constant 1 : i32
    %scan3A_4 = scf.for %scan3A_28 = %scan3A_0 to %scan3A_2 step %scan3A_3 iter_args(%scan3A_29 = %scan3A) -> (i32)  : i32 {
      %broadcast_in_dim3A = arith.constant 0.000000e+00 : f32
      %broadcast_in_dim3A_30 = vector.broadcast %broadcast_in_dim3A : f32 to vector<16xf32>
      %swap3A = arith.index_cast %scan3A_28 : i32 to index
      %swap3A_31 = arith.constant 0 : index
      %swap3A_32 = tpu.vector_load %arg8[%swap3A, %swap3A_31] {strides = array<i32>} : memref<400x32xf32, #tpu.memory_space<vmem>>, vector<1x16xf32>,
      %swap3A_33 = vector.shape_cast %swap3A_32 : vector<1x16xf32> to vector<16xf32>
      %swap3A_34 = vector.shape_cast %broadcast_in_dim3A_30 : vector<16xf32> to vector<1x16xf32>
      tpu.vector_store %arg8[%swap3A, %swap3A_31], %swap3A_34 {strides = array<i32>} : memref<400x32xf32, #tpu.memory_space<vmem>>, vector<1x16xf32>,
      %broadcast_in_dim3A_35 = arith.constant 0.000000e+00 : f32
      %broadcast_in_dim3A_36 = vector.broadcast %broadcast_in_dim3A_35 : f32 to vector<16xf32>
      %swap3A_37 = arith.index_cast %scan3A_28 : i32 to index
      %swap3A_38 = arith.constant 16 : index
      %swap3A_39 = tpu.vector_load %arg8[%swap3A_37, %swap3A_38] {strides = array<i32>} : memref<400x32xf32, #tpu.memory_space<vmem>>, vector<1x16xf32>,
      %swap3A_40 = vector.shape_cast %swap3A_39 : vector<1x16xf32> to vector<16xf32>
      %swap3A_41 = vector.shape_cast %broadcast_in_dim3A_36 : vector<16xf32> to vector<1x16xf32>
      tpu.vector_store %arg8[%swap3A_37, %swap3A_38], %swap3A_41 {strides = array<i32>} : memref<400x32xf32, #tpu.memory_space<vmem>>, vector<1x16xf32>,
      %scan3A_42 = arith.constant 0 : i32
      scf.yield %scan3A_42 : i32
    }
    %scan3A_5 = arith.constant 400 : i32
    %scan3A_6 = arith.constant 0 : i32
    %scan3A_7 = arith.constant 0 : i32
    %scan3A_8 = arith.constant 8 : i32
    %scan3A_9 = arith.addi %scan3A_7, %scan3A_8 : i32
    %scan3A_10 = arith.constant 1 : i32
    %scan3A_11 = scf.for %scan3A_28 = %scan3A_7 to %scan3A_9 step %scan3A_10 iter_args(%scan3A_29 = %scan3A_6) -> (i32)  : i32 {
      %mul3A = arith.constant 3136 : i32
      %mul3A_30 = arith.muli %arg1, %mul3A : i32
      %mul3A_31 = arith.constant 392 : i32
      %mul3A_32 = arith.muli %scan3A_28, %mul3A_31 : i32
      %add3A = arith.addi %mul3A_30, %mul3A_32 : i32
      "tpu.region"() ({
        %run_scoped3A = tpu.sem_alloc : memref<!tpu.dma_semaphore, #tpu.memory_space<semaphore_mem>>
        %dma_start3A = arith.constant 0 : i32
        %dma_start3A_34 = arith.constant 0 : i32
        %dma_start3A_35 = tpu.memref_slice %arg8[%dma_start3A, %dma_start3A_34] : memref<400x32xf32, #tpu.memory_space<vmem>> -> memref<392x32xf32, #tpu.memory_space<vmem>>
        %dma_start3A_36 = arith.constant 0 : i32
        %dma_start3A_37 = tpu.memref_slice %arg10[%add3A, %dma_start3A_36] : memref<50176x32xf32, #tpu.memory_space<vmem_shared>> -> memref<392x32xf32, #tpu.memory_space<vmem_shared>>
        %dma_start3A_38 = arith.constant 0 : i32
        %dma_start3A_39 = tpu.memref_slice %arg10[%add3A, %dma_start3A_38] : memref<50176x32xf32, #tpu.memory_space<vmem_shared>> -> memref<392x32xf32, #tpu.memory_space<vmem_shared>>
        %dma_start3A_40 = arith.constant 0 : i32
        %dma_start3A_41 = arith.constant 0 : i32
        %dma_start3A_42 = tpu.memref_slice %arg8[%dma_start3A_40, %dma_start3A_41] : memref<400x32xf32, #tpu.memory_space<vmem>> -> memref<392x32xf32, #tpu.memory_space<vmem>>
        tpu.enqueue_dma source(%dma_start3A_42 : memref<392x32xf32, #tpu.memory_space<vmem>>) target(%dma_start3A_39 : memref<392x32xf32, #tpu.memory_space<vmem_shared>>) target_semaphore(%run_scoped3A : memref<!tpu.dma_semaphore, #tpu.memory_space<semaphore_mem>>)
        %dma_wait3A = arith.constant 0 : i32
        %dma_wait3A_43 = arith.constant 0 : i32
        %dma_wait3A_44 = tpu.memref_slice %arg8[%dma_wait3A, %dma_wait3A_43] : memref<400x32xf32, #tpu.memory_space<vmem>> -> memref<392x32xf32, #tpu.memory_space<vmem>>
        %dma_wait3A_45 = arith.constant 0 : i32
        %dma_wait3A_46 = tpu.memref_slice %arg10[%add3A, %dma_wait3A_45] : memref<50176x32xf32, #tpu.memory_space<vmem_shared>> -> memref<392x32xf32, #tpu.memory_space<vmem_shared>>
        %dma_wait3A_47 = arith.constant 0 : i32
        %dma_wait3A_48 = tpu.memref_slice %arg10[%add3A, %dma_wait3A_47] : memref<50176x32xf32, #tpu.memory_space<vmem_shared>> -> memref<392x32xf32, #tpu.memory_space<vmem_shared>>
        %dma_wait3A_49 = arith.constant 0 : i32
        %dma_wait3A_50 = arith.constant 0 : i32
        %dma_wait3A_51 = tpu.memref_slice %arg8[%dma_wait3A_49, %dma_wait3A_50] : memref<400x32xf32, #tpu.memory_space<vmem>> -> memref<392x32xf32, #tpu.memory_space<vmem>>
        tpu.wait_dma2 semaphore(%run_scoped3A : memref<!tpu.dma_semaphore, #tpu.memory_space<semaphore_mem>>) src(%dma_wait3A_51 : memref<392x32xf32, #tpu.memory_space<vmem>>) dst(%dma_wait3A_48 : memref<392x32xf32, #tpu.memory_space<vmem_shared>>)
        tpu.yield
      }) : () -> ()
      %scan3A_33 = arith.constant 0 : i32
      scf.yield %scan3A_33 : i32
    }
    %scan3A_12 = arith.constant 8 : i32
    %barrier3A = arith.constant 0 : index
    tpu.barrier barrier_id(%barrier3A)
    %scan3A_13 = arith.constant 0 : i32
    %scan3A_14 = arith.constant 0 : i32
    %scan3A_15 = arith.constant 125 : i32
    %scan3A_16 = arith.addi %scan3A_14, %scan3A_15 : i32
    %scan3A_17 = arith.constant 1 : i32
    %scan3A_18 = scf.for %scan3A_28 = %scan3A_14 to %scan3A_16 step %scan3A_17 iter_args(%scan3A_29 = %scan3A_13) -> (i32)  : i32 {
      %mul3A = arith.constant 50000 : i32
      %mul3A_30 = arith.muli %arg1, %mul3A : i32
      %mul3A_31 = arith.constant 400 : i32
      %mul3A_32 = arith.muli %scan3A_28, %mul3A_31 : i32
      %add3A = arith.addi %mul3A_30, %mul3A_32 : i32
      %mul3A_33 = arith.constant 800000 : i32
      %mul3A_34 = arith.muli %arg0, %mul3A_33 : i32
      %add3A_35 = arith.addi %mul3A_34, %add3A : i32
      "tpu.region"() ({
        %run_scoped3A = tpu.sem_alloc : memref<!tpu.dma_semaphore, #tpu.memory_space<semaphore_mem>>
        %dma_start3A_41 = tpu.memref_slice %arg3[%add3A_35] : memref<1600000xi32, #tpu.memory_space<hbm>> -> memref<400xi32, #tpu.memory_space<hbm>>
        %dma_start3A_42 = tpu.memref_slice %arg3[%add3A_35] : memref<1600000xi32, #tpu.memory_space<hbm>> -> memref<400xi32, #tpu.memory_space<hbm>>
        tpu.enqueue_dma source(%dma_start3A_42 : memref<400xi32, #tpu.memory_space<hbm>>) target(%arg6 : memref<400xi32, #tpu.memory_space<vmem>>) target_semaphore(%run_scoped3A : memref<!tpu.dma_semaphore, #tpu.memory_space<semaphore_mem>>)
        %dma_wait3A_43 = tpu.memref_slice %arg3[%add3A_35] : memref<1600000xi32, #tpu.memory_space<hbm>> -> memref<400xi32, #tpu.memory_space<hbm>>
        %dma_wait3A_44 = tpu.memref_slice %arg3[%add3A_35] : memref<1600000xi32, #tpu.memory_space<hbm>> -> memref<400xi32, #tpu.memory_space<hbm>>
        tpu.wait_dma2 semaphore(%run_scoped3A : memref<!tpu.dma_semaphore, #tpu.memory_space<semaphore_mem>>) src(%dma_wait3A_44 : memref<400xi32, #tpu.memory_space<hbm>>) dst(%arg6 : memref<400xi32, #tpu.memory_space<vmem>>)
        tpu.yield
      }) : () -> ()
      "tpu.region"() ({
        %run_scoped3A = tpu.sem_alloc : memref<!tpu.dma_semaphore, #tpu.memory_space<semaphore_mem>>
        %dma_start3A_41 = tpu.memref_slice %arg4[%add3A] : memref<800000xi32, #tpu.memory_space<hbm>> -> memref<400xi32, #tpu.memory_space<hbm>>
        %dma_start3A_42 = tpu.memref_slice %arg4[%add3A] : memref<800000xi32, #tpu.memory_space<hbm>> -> memref<400xi32, #tpu.memory_space<hbm>>
        tpu.enqueue_dma source(%dma_start3A_42 : memref<400xi32, #tpu.memory_space<hbm>>) target(%arg7 : memref<400xi32, #tpu.memory_space<vmem>>) target_semaphore(%run_scoped3A : memref<!tpu.dma_semaphore, #tpu.memory_space<semaphore_mem>>)
        %dma_wait3A_43 = tpu.memref_slice %arg4[%add3A] : memref<800000xi32, #tpu.memory_space<hbm>> -> memref<400xi32, #tpu.memory_space<hbm>>
        %dma_wait3A_44 = tpu.memref_slice %arg4[%add3A] : memref<800000xi32, #tpu.memory_space<hbm>> -> memref<400xi32, #tpu.memory_space<hbm>>
        tpu.wait_dma2 semaphore(%run_scoped3A : memref<!tpu.dma_semaphore, #tpu.memory_space<semaphore_mem>>) src(%dma_wait3A_44 : memref<400xi32, #tpu.memory_space<hbm>>) dst(%arg7 : memref<400xi32, #tpu.memory_space<vmem>>)
        tpu.yield
      }) : () -> ()
      %dma_start3A = arith.constant 0 : i32
      %dma_start3A_36 = arith.constant 0 : i32
      %dma_start3A_37 = tpu.memref_slice %arg2[%dma_start3A, %dma_start3A_36] : memref<100352x32xf32, #tpu.memory_space<hbm>> -> memref<100352x32xf32, #tpu.memory_space<hbm>>
      tpu.enqueue_indirect_dma source(%dma_start3A_37 : memref<100352x32xf32, #tpu.memory_space<hbm>>) target(%arg8 : memref<400x32xf32, #tpu.memory_space<vmem>>) offsets(%arg6 : memref<400xi32, #tpu.memory_space<vmem>>) semaphore(%arg9 : memref<!tpu.dma_semaphore, #tpu.memory_space<semaphore_mem>>)
      %dma_wait3A = arith.constant 0 : i32
      %dma_wait3A_38 = arith.constant 0 : i32
      %dma_wait3A_39 = tpu.memref_slice %arg2[%dma_wait3A, %dma_wait3A_38] : memref<100352x32xf32, #tpu.memory_space<hbm>> -> memref<100352x32xf32, #tpu.memory_space<hbm>>
      tpu.wait_indirect_dma semaphore(%arg9 : memref<!tpu.dma_semaphore, #tpu.memory_space<semaphore_mem>>) src(%dma_wait3A_39 : memref<100352x32xf32, #tpu.memory_space<hbm>>) dst(%arg8 : memref<400x32xf32, #tpu.memory_space<vmem>>)
      "tpu.region"() ({
        %run_scoped3A = tpu.sem_alloc : memref<!tpu.dma_semaphore, #tpu.memory_space<semaphore_mem>>
        %dma_start3A_41 = arith.constant 0 : i32
        %dma_start3A_42 = arith.constant 0 : i32
        %dma_start3A_43 = tpu.memref_slice %arg10[%dma_start3A_41, %dma_start3A_42] : memref<50176x32xf32, #tpu.memory_space<vmem_shared>> -> memref<50176x32xf32, #tpu.memory_space<vmem_shared>>
        tpu.enqueue_indirect_dma source(%arg8 : memref<400x32xf32, #tpu.memory_space<vmem>>) target(%dma_start3A_43 : memref<50176x32xf32, #tpu.memory_space<vmem_shared>>) offsets(%arg7 : memref<400xi32, #tpu.memory_space<vmem>>) semaphore(%run_scoped3A : memref<!tpu.dma_semaphore, #tpu.memory_space<semaphore_mem>>) {add = true}
        %dma_wait3A_44 = arith.constant 0 : i32
        %dma_wait3A_45 = arith.constant 0 : i32
        %dma_wait3A_46 = tpu.memref_slice %arg10[%dma_wait3A_44, %dma_wait3A_45] : memref<50176x32xf32, #tpu.memory_space<vmem_shared>> -> memref<50176x32xf32, #tpu.memory_space<vmem_shared>>
        tpu.wait_indirect_dma semaphore(%run_scoped3A : memref<!tpu.dma_semaphore, #tpu.memory_space<semaphore_mem>>) src(%arg8 : memref<400x32xf32, #tpu.memory_space<vmem>>) dst(%dma_wait3A_46 : memref<50176x32xf32, #tpu.memory_space<vmem_shared>>)
        tpu.yield
      }) : () -> ()
      %scan3A_40 = arith.constant 0 : i32
      scf.yield %scan3A_40 : i32
    }
    %scan3A_19 = arith.constant 125 : i32
    %barrier3A_20 = arith.constant 0 : index
    tpu.barrier barrier_id(%barrier3A_20)
    %scan3A_21 = arith.constant 0 : i32
    %scan3A_22 = arith.constant 0 : i32
    %scan3A_23 = arith.constant 8 : i32
    %scan3A_24 = arith.addi %scan3A_22, %scan3A_23 : i32
    %scan3A_25 = arith.constant 1 : i32
    %scan3A_26 = scf.for %scan3A_28 = %scan3A_22 to %scan3A_24 step %scan3A_25 iter_args(%scan3A_29 = %scan3A_21) -> (i32)  : i32 {
      %mul3A = arith.constant 3136 : i32
      %mul3A_30 = arith.muli %arg1, %mul3A : i32
      %mul3A_31 = arith.constant 392 : i32
      %mul3A_32 = arith.muli %scan3A_28, %mul3A_31 : i32
      %add3A = arith.addi %mul3A_30, %mul3A_32 : i32
      "tpu.region"() ({
        %run_scoped3A = tpu.sem_alloc : memref<!tpu.dma_semaphore, #tpu.memory_space<semaphore_mem>>
        %dma_start3A = arith.constant 0 : i32
        %dma_start3A_42 = arith.constant 0 : i32
        %dma_start3A_43 = tpu.memref_slice %arg8[%dma_start3A, %dma_start3A_42] : memref<400x32xf32, #tpu.memory_space<vmem>> -> memref<392x32xf32, #tpu.memory_space<vmem>>
        %dma_start3A_44 = arith.constant 0 : i32
        %dma_start3A_45 = tpu.memref_slice %arg10[%add3A, %dma_start3A_44] : memref<50176x32xf32, #tpu.memory_space<vmem_shared>> -> memref<392x32xf32, #tpu.memory_space<vmem_shared>>
        %dma_start3A_46 = arith.constant 0 : i32
        %dma_start3A_47 = arith.constant 0 : i32
        %dma_start3A_48 = tpu.memref_slice %arg8[%dma_start3A_46, %dma_start3A_47] : memref<400x32xf32, #tpu.memory_space<vmem>> -> memref<392x32xf32, #tpu.memory_space<vmem>>
        %dma_start3A_49 = arith.constant 0 : i32
        %dma_start3A_50 = tpu.memref_slice %arg10[%add3A, %dma_start3A_49] : memref<50176x32xf32, #tpu.memory_space<vmem_shared>> -> memref<392x32xf32, #tpu.memory_space<vmem_shared>>
        tpu.enqueue_dma source(%dma_start3A_50 : memref<392x32xf32, #tpu.memory_space<vmem_shared>>) target(%dma_start3A_48 : memref<392x32xf32, #tpu.memory_space<vmem>>) target_semaphore(%run_scoped3A : memref<!tpu.dma_semaphore, #tpu.memory_space<semaphore_mem>>)
        %dma_wait3A = arith.constant 0 : i32
        %dma_wait3A_51 = arith.constant 0 : i32
        %dma_wait3A_52 = tpu.memref_slice %arg8[%dma_wait3A, %dma_wait3A_51] : memref<400x32xf32, #tpu.memory_space<vmem>> -> memref<392x32xf32, #tpu.memory_space<vmem>>
        %dma_wait3A_53 = arith.constant 0 : i32
        %dma_wait3A_54 = tpu.memref_slice %arg10[%add3A, %dma_wait3A_53] : memref<50176x32xf32, #tpu.memory_space<vmem_shared>> -> memref<392x32xf32, #tpu.memory_space<vmem_shared>>
        %dma_wait3A_55 = arith.constant 0 : i32
        %dma_wait3A_56 = arith.constant 0 : i32
        %dma_wait3A_57 = tpu.memref_slice %arg8[%dma_wait3A_55, %dma_wait3A_56] : memref<400x32xf32, #tpu.memory_space<vmem>> -> memref<392x32xf32, #tpu.memory_space<vmem>>
        %dma_wait3A_58 = arith.constant 0 : i32
        %dma_wait3A_59 = tpu.memref_slice %arg10[%add3A, %dma_wait3A_58] : memref<50176x32xf32, #tpu.memory_space<vmem_shared>> -> memref<392x32xf32, #tpu.memory_space<vmem_shared>>
        tpu.wait_dma2 semaphore(%run_scoped3A : memref<!tpu.dma_semaphore, #tpu.memory_space<semaphore_mem>>) src(%dma_wait3A_59 : memref<392x32xf32, #tpu.memory_space<vmem_shared>>) dst(%dma_wait3A_57 : memref<392x32xf32, #tpu.memory_space<vmem>>)
        tpu.yield
      }) : () -> ()
      %mul3A_33 = arith.constant 50176 : i32
      %mul3A_34 = arith.muli %arg0, %mul3A_33 : i32
      %mul3A_35 = arith.constant 3136 : i32
      %mul3A_36 = arith.muli %arg1, %mul3A_35 : i32
      %add3A_37 = arith.addi %mul3A_34, %mul3A_36 : i32
      %mul3A_38 = arith.constant 392 : i32
      %mul3A_39 = arith.muli %scan3A_28, %mul3A_38 : i32
      %add3A_40 = arith.addi %add3A_37, %mul3A_39 : i32
      "tpu.region"() ({
        %run_scoped3A = tpu.sem_alloc : memref<!tpu.dma_semaphore, #tpu.memory_space<semaphore_mem>>
        %dma_start3A = arith.constant 0 : i32
        %dma_start3A_42 = arith.constant 0 : i32
        %dma_start3A_43 = tpu.memref_slice %arg8[%dma_start3A, %dma_start3A_42] : memref<400x32xf32, #tpu.memory_space<vmem>> -> memref<392x32xf32, #tpu.memory_space<vmem>>
        %dma_start3A_44 = arith.constant 0 : i32
        %dma_start3A_45 = tpu.memref_slice %arg5[%add3A_40, %dma_start3A_44] : memref<100352x32xf32, #tpu.memory_space<hbm>> -> memref<392x32xf32, #tpu.memory_space<hbm>>
        %dma_start3A_46 = arith.constant 0 : i32
        %dma_start3A_47 = tpu.memref_slice %arg5[%add3A_40, %dma_start3A_46] : memref<100352x32xf32, #tpu.memory_space<hbm>> -> memref<392x32xf32, #tpu.memory_space<hbm>>
        %dma_start3A_48 = arith.constant 0 : i32
        %dma_start3A_49 = arith.constant 0 : i32
        %dma_start3A_50 = tpu.memref_slice %arg8[%dma_start3A_48, %dma_start3A_49] : memref<400x32xf32, #tpu.memory_space<vmem>> -> memref<392x32xf32, #tpu.memory_space<vmem>>
        tpu.enqueue_dma source(%dma_start3A_50 : memref<392x32xf32, #tpu.memory_space<vmem>>) target(%dma_start3A_47 : memref<392x32xf32, #tpu.memory_space<hbm>>) target_semaphore(%run_scoped3A : memref<!tpu.dma_semaphore, #tpu.memory_space<semaphore_mem>>)
        %dma_wait3A = arith.constant 0 : i32
        %dma_wait3A_51 = arith.constant 0 : i32
        %dma_wait3A_52 = tpu.memref_slice %arg8[%dma_wait3A, %dma_wait3A_51] : memref<400x32xf32, #tpu.memory_space<vmem>> -> memref<392x32xf32, #tpu.memory_space<vmem>>
        %dma_wait3A_53 = arith.constant 0 : i32
        %dma_wait3A_54 = tpu.memref_slice %arg5[%add3A_40, %dma_wait3A_53] : memref<100352x32xf32, #tpu.memory_space<hbm>> -> memref<392x32xf32, #tpu.memory_space<hbm>>
        %dma_wait3A_55 = arith.constant 0 : i32
        %dma_wait3A_56 = tpu.memref_slice %arg5[%add3A_40, %dma_wait3A_55] : memref<100352x32xf32, #tpu.memory_space<hbm>> -> memref<392x32xf32, #tpu.memory_space<hbm>>
        %dma_wait3A_57 = arith.constant 0 : i32
        %dma_wait3A_58 = arith.constant 0 : i32
        %dma_wait3A_59 = tpu.memref_slice %arg8[%dma_wait3A_57, %dma_wait3A_58] : memref<400x32xf32, #tpu.memory_space<vmem>> -> memref<392x32xf32, #tpu.memory_space<vmem>>
        tpu.wait_dma2 semaphore(%run_scoped3A : memref<!tpu.dma_semaphore, #tpu.memory_space<semaphore_mem>>) src(%dma_wait3A_59 : memref<392x32xf32, #tpu.memory_space<vmem>>) dst(%dma_wait3A_56 : memref<392x32xf32, #tpu.memory_space<hbm>>)
        tpu.yield
      }) : () -> ()
      %scan3A_41 = arith.constant 0 : i32
      scf.yield %scan3A_41 : i32
    }
    %scan3A_27 = arith.constant 8 : i32
    return
  }
}

#map = affine_map<(d0, d1) -> (0)>
module attributes {stable_mosaic.version = 14 : i64} {
  func.func @_deg_body(%arg0: i32, %arg1: i32, %arg2: memref<800000xi32, #tpu.memory_space<hbm>>, %arg3: memref<25000xf32, #tpu.memory_space<hbm>>, %arg4: memref<100352xf32, #tpu.memory_space<hbm>>, %arg5: memref<25000xi32, #tpu.memory_space<vmem>>, %arg6: memref<25000xf32, #tpu.memory_space<vmem>>, %arg7: memref<3136xf32, #tpu.memory_space<vmem>>, %arg8: memref<50176xf32, #tpu.memory_space<vmem_shared>>) attributes {dimension_semantics = [#tpu.dimension_semantics<core_parallel>, #tpu.dimension_semantics<subcore_parallel>], iteration_bounds = array<i64: 2, 16>, scalar_prefetch = 0 : i64, scratch_operands = 4 : i64, tpu.core_type = #tpu.core_type<sc_vector_subcore>, window_params = [{transform_indices = #map}, {transform_indices = #map}, {transform_indices = #map}]} {
    %mul3A = arith.constant 16 : i32
    %mul3A_0 = arith.muli %arg0, %mul3A : i32
    %add3A = arith.addi %mul3A_0, %arg1 : i32
    %scan3A = arith.constant 0 : i32
    %scan3A_1 = arith.constant 0 : i32
    %scan3A_2 = arith.constant 196 : i32
    %scan3A_3 = arith.addi %scan3A_1, %scan3A_2 : i32
    %scan3A_4 = arith.constant 1 : i32
    %scan3A_5 = scf.for %scan3A_19 = %scan3A_1 to %scan3A_3 step %scan3A_4 iter_args(%scan3A_20 = %scan3A) -> (i32)  : i32 {
      %broadcast_in_dim3A = arith.constant 0.000000e+00 : f32
      %broadcast_in_dim3A_21 = vector.broadcast %broadcast_in_dim3A : f32 to vector<16xf32>
      %mul3A_22 = arith.constant 16 : i32
      %mul3A_23 = arith.muli %scan3A_19, %mul3A_22 : i32
      %swap3A = arith.index_cast %mul3A_23 : i32 to index
      %swap3A_24 = tpu.vector_load %arg7[%swap3A] {strides = array<i32>} : memref<3136xf32, #tpu.memory_space<vmem>>, vector<16xf32>,
      %swap3A_25 = vector.shape_cast %swap3A_24 : vector<16xf32> to vector<16xf32>
      %swap3A_26 = vector.shape_cast %broadcast_in_dim3A_21 : vector<16xf32> to vector<16xf32>
      tpu.vector_store %arg7[%swap3A], %swap3A_26 {strides = array<i32>} : memref<3136xf32, #tpu.memory_space<vmem>>, vector<16xf32>,
      %scan3A_27 = arith.constant 0 : i32
      scf.yield %scan3A_27 : i32
    }
    %scan3A_6 = arith.constant 196 : i32
    %mul3A_7 = arith.constant 3136 : i32
    %mul3A_8 = arith.muli %arg1, %mul3A_7 : i32
    "tpu.region"() ({
      %run_scoped3A = tpu.sem_alloc : memref<!tpu.dma_semaphore, #tpu.memory_space<semaphore_mem>>
      %dma_start3A = tpu.memref_slice %arg8[%mul3A_8] : memref<50176xf32, #tpu.memory_space<vmem_shared>> -> memref<3136xf32, #tpu.memory_space<vmem_shared>>
      %dma_start3A_19 = tpu.memref_slice %arg8[%mul3A_8] : memref<50176xf32, #tpu.memory_space<vmem_shared>> -> memref<3136xf32, #tpu.memory_space<vmem_shared>>
      tpu.enqueue_dma source(%arg7 : memref<3136xf32, #tpu.memory_space<vmem>>) target(%dma_start3A_19 : memref<3136xf32, #tpu.memory_space<vmem_shared>>) target_semaphore(%run_scoped3A : memref<!tpu.dma_semaphore, #tpu.memory_space<semaphore_mem>>)
      %dma_wait3A = tpu.memref_slice %arg8[%mul3A_8] : memref<50176xf32, #tpu.memory_space<vmem_shared>> -> memref<3136xf32, #tpu.memory_space<vmem_shared>>
      %dma_wait3A_20 = tpu.memref_slice %arg8[%mul3A_8] : memref<50176xf32, #tpu.memory_space<vmem_shared>> -> memref<3136xf32, #tpu.memory_space<vmem_shared>>
      tpu.wait_dma2 semaphore(%run_scoped3A : memref<!tpu.dma_semaphore, #tpu.memory_space<semaphore_mem>>) src(%arg7 : memref<3136xf32, #tpu.memory_space<vmem>>) dst(%dma_wait3A_20 : memref<3136xf32, #tpu.memory_space<vmem_shared>>)
      tpu.yield
    }) : () -> ()
    %barrier3A = arith.constant 0 : index
    tpu.barrier barrier_id(%barrier3A)
    "tpu.region"() ({
      %run_scoped3A = tpu.sem_alloc : memref<!tpu.dma_semaphore, #tpu.memory_space<semaphore_mem>>
      tpu.enqueue_dma source(%arg3 : memref<25000xf32, #tpu.memory_space<hbm>>) target(%arg6 : memref<25000xf32, #tpu.memory_space<vmem>>) target_semaphore(%run_scoped3A : memref<!tpu.dma_semaphore, #tpu.memory_space<semaphore_mem>>)
      tpu.wait_dma2 semaphore(%run_scoped3A : memref<!tpu.dma_semaphore, #tpu.memory_space<semaphore_mem>>) src(%arg3 : memref<25000xf32, #tpu.memory_space<hbm>>) dst(%arg6 : memref<25000xf32, #tpu.memory_space<vmem>>)
      tpu.yield
    }) : () -> ()
    %mul3A_9 = arith.constant 25000 : i32
    %mul3A_10 = arith.muli %add3A, %mul3A_9 : i32
    "tpu.region"() ({
      %run_scoped3A = tpu.sem_alloc : memref<!tpu.dma_semaphore, #tpu.memory_space<semaphore_mem>>
      %dma_start3A = tpu.memref_slice %arg2[%mul3A_10] : memref<800000xi32, #tpu.memory_space<hbm>> -> memref<25000xi32, #tpu.memory_space<hbm>>
      %dma_start3A_19 = tpu.memref_slice %arg2[%mul3A_10] : memref<800000xi32, #tpu.memory_space<hbm>> -> memref<25000xi32, #tpu.memory_space<hbm>>
      tpu.enqueue_dma source(%dma_start3A_19 : memref<25000xi32, #tpu.memory_space<hbm>>) target(%arg5 : memref<25000xi32, #tpu.memory_space<vmem>>) target_semaphore(%run_scoped3A : memref<!tpu.dma_semaphore, #tpu.memory_space<semaphore_mem>>)
      %dma_wait3A = tpu.memref_slice %arg2[%mul3A_10] : memref<800000xi32, #tpu.memory_space<hbm>> -> memref<25000xi32, #tpu.memory_space<hbm>>
      %dma_wait3A_20 = tpu.memref_slice %arg2[%mul3A_10] : memref<800000xi32, #tpu.memory_space<hbm>> -> memref<25000xi32, #tpu.memory_space<hbm>>
      tpu.wait_dma2 semaphore(%run_scoped3A : memref<!tpu.dma_semaphore, #tpu.memory_space<semaphore_mem>>) src(%dma_wait3A_20 : memref<25000xi32, #tpu.memory_space<hbm>>) dst(%arg5 : memref<25000xi32, #tpu.memory_space<vmem>>)
      tpu.yield
    }) : () -> ()
    "tpu.region"() ({
      %run_scoped3A = tpu.sem_alloc : memref<!tpu.dma_semaphore, #tpu.memory_space<semaphore_mem>>
      %dma_start3A = arith.constant 0 : i32
      %dma_start3A_19 = tpu.memref_slice %arg8[%dma_start3A] : memref<50176xf32, #tpu.memory_space<vmem_shared>> -> memref<50176xf32, #tpu.memory_space<vmem_shared>>
      tpu.enqueue_indirect_dma source(%arg6 : memref<25000xf32, #tpu.memory_space<vmem>>) target(%dma_start3A_19 : memref<50176xf32, #tpu.memory_space<vmem_shared>>) offsets(%arg5 : memref<25000xi32, #tpu.memory_space<vmem>>) semaphore(%run_scoped3A : memref<!tpu.dma_semaphore, #tpu.memory_space<semaphore_mem>>) {add = true}
      %dma_wait3A = arith.constant 0 : i32
      %dma_wait3A_20 = tpu.memref_slice %arg8[%dma_wait3A] : memref<50176xf32, #tpu.memory_space<vmem_shared>> -> memref<50176xf32, #tpu.memory_space<vmem_shared>>
      tpu.wait_indirect_dma semaphore(%run_scoped3A : memref<!tpu.dma_semaphore, #tpu.memory_space<semaphore_mem>>) src(%arg6 : memref<25000xf32, #tpu.memory_space<vmem>>) dst(%dma_wait3A_20 : memref<50176xf32, #tpu.memory_space<vmem_shared>>)
      tpu.yield
    }) : () -> ()
    %barrier3A_11 = arith.constant 0 : index
    tpu.barrier barrier_id(%barrier3A_11)
    %mul3A_12 = arith.constant 3136 : i32
    %mul3A_13 = arith.muli %arg1, %mul3A_12 : i32
    "tpu.region"() ({
      %run_scoped3A = tpu.sem_alloc : memref<!tpu.dma_semaphore, #tpu.memory_space<semaphore_mem>>
      %dma_start3A = tpu.memref_slice %arg8[%mul3A_13] : memref<50176xf32, #tpu.memory_space<vmem_shared>> -> memref<3136xf32, #tpu.memory_space<vmem_shared>>
      %dma_start3A_19 = tpu.memref_slice %arg8[%mul3A_13] : memref<50176xf32, #tpu.memory_space<vmem_shared>> -> memref<3136xf32, #tpu.memory_space<vmem_shared>>
      tpu.enqueue_dma source(%dma_start3A_19 : memref<3136xf32, #tpu.memory_space<vmem_shared>>) target(%arg7 : memref<3136xf32, #tpu.memory_space<vmem>>) target_semaphore(%run_scoped3A : memref<!tpu.dma_semaphore, #tpu.memory_space<semaphore_mem>>)
      %dma_wait3A = tpu.memref_slice %arg8[%mul3A_13] : memref<50176xf32, #tpu.memory_space<vmem_shared>> -> memref<3136xf32, #tpu.memory_space<vmem_shared>>
      %dma_wait3A_20 = tpu.memref_slice %arg8[%mul3A_13] : memref<50176xf32, #tpu.memory_space<vmem_shared>> -> memref<3136xf32, #tpu.memory_space<vmem_shared>>
      tpu.wait_dma2 semaphore(%run_scoped3A : memref<!tpu.dma_semaphore, #tpu.memory_space<semaphore_mem>>) src(%dma_wait3A_20 : memref<3136xf32, #tpu.memory_space<vmem_shared>>) dst(%arg7 : memref<3136xf32, #tpu.memory_space<vmem>>)
      tpu.yield
    }) : () -> ()
    %mul3A_14 = arith.constant 50176 : i32
    %mul3A_15 = arith.muli %arg0, %mul3A_14 : i32
    %mul3A_16 = arith.constant 3136 : i32
    %mul3A_17 = arith.muli %arg1, %mul3A_16 : i32
    %add3A_18 = arith.addi %mul3A_15, %mul3A_17 : i32
    "tpu.region"() ({
      %run_scoped3A = tpu.sem_alloc : memref<!tpu.dma_semaphore, #tpu.memory_space<semaphore_mem>>
      %dma_start3A = tpu.memref_slice %arg4[%add3A_18] : memref<100352xf32, #tpu.memory_space<hbm>> -> memref<3136xf32, #tpu.memory_space<hbm>>
      %dma_start3A_19 = tpu.memref_slice %arg4[%add3A_18] : memref<100352xf32, #tpu.memory_space<hbm>> -> memref<3136xf32, #tpu.memory_space<hbm>>
      tpu.enqueue_dma source(%arg7 : memref<3136xf32, #tpu.memory_space<vmem>>) target(%dma_start3A_19 : memref<3136xf32, #tpu.memory_space<hbm>>) target_semaphore(%run_scoped3A : memref<!tpu.dma_semaphore, #tpu.memory_space<semaphore_mem>>)
      %dma_wait3A = tpu.memref_slice %arg4[%add3A_18] : memref<100352xf32, #tpu.memory_space<hbm>> -> memref<3136xf32, #tpu.memory_space<hbm>>
      %dma_wait3A_20 = tpu.memref_slice %arg4[%add3A_18] : memref<100352xf32, #tpu.memory_space<hbm>> -> memref<3136xf32, #tpu.memory_space<hbm>>
      tpu.wait_dma2 semaphore(%run_scoped3A : memref<!tpu.dma_semaphore, #tpu.memory_space<semaphore_mem>>) src(%arg7 : memref<3136xf32, #tpu.memory_space<vmem>>) dst(%dma_wait3A_20 : memref<3136xf32, #tpu.memory_space<hbm>>)
      tpu.yield
    }) : () -> ()
    return
  }
}

#map = affine_map<(d0, d1) -> (0, 0)>
#map1 = affine_map<(d0, d1) -> (0)>
module attributes {stable_mosaic.version = 14 : i64} {
  func.func @_agg_body(%arg0: i32, %arg1: i32, %arg2: memref<100352x32xf32, #tpu.memory_space<hbm>>, %arg3: memref<1600000xi32, #tpu.memory_space<hbm>>, %arg4: memref<800000xi32, #tpu.memory_space<hbm>>, %arg5: memref<100352x32xf32, #tpu.memory_space<hbm>>, %arg6: memref<400xi32, #tpu.memory_space<vmem>>, %arg7: memref<400xi32, #tpu.memory_space<vmem>>, %arg8: memref<400x32xf32, #tpu.memory_space<vmem>>, %arg9: memref<!tpu.dma_semaphore, #tpu.memory_space<semaphore_mem>>, %arg10: memref<50176x32xf32, #tpu.memory_space<vmem_shared>>) attributes {dimension_semantics = [#tpu.dimension_semantics<core_parallel>, #tpu.dimension_semantics<subcore_parallel>], iteration_bounds = array<i64: 2, 16>, scalar_prefetch = 0 : i64, scratch_operands = 5 : i64, tpu.core_type = #tpu.core_type<sc_vector_subcore>, window_params = [{transform_indices = #map}, {transform_indices = #map1}, {transform_indices = #map1}, {transform_indices = #map}]} {
    %scan3A = arith.constant 0 : i32
    %scan3A_0 = arith.constant 0 : i32
    %scan3A_1 = arith.constant 400 : i32
    %scan3A_2 = arith.addi %scan3A_0, %scan3A_1 : i32
    %scan3A_3 = arith.constant 1 : i32
    %scan3A_4 = scf.for %scan3A_28 = %scan3A_0 to %scan3A_2 step %scan3A_3 iter_args(%scan3A_29 = %scan3A) -> (i32)  : i32 {
      %broadcast_in_dim3A = arith.constant 0.000000e+00 : f32
      %broadcast_in_dim3A_30 = vector.broadcast %broadcast_in_dim3A : f32 to vector<16xf32>
      %swap3A = arith.index_cast %scan3A_28 : i32 to index
      %swap3A_31 = arith.constant 0 : index
      %swap3A_32 = tpu.vector_load %arg8[%swap3A, %swap3A_31] {strides = array<i32>} : memref<400x32xf32, #tpu.memory_space<vmem>>, vector<1x16xf32>,
      %swap3A_33 = vector.shape_cast %swap3A_32 : vector<1x16xf32> to vector<16xf32>
      %swap3A_34 = vector.shape_cast %broadcast_in_dim3A_30 : vector<16xf32> to vector<1x16xf32>
      tpu.vector_store %arg8[%swap3A, %swap3A_31], %swap3A_34 {strides = array<i32>} : memref<400x32xf32, #tpu.memory_space<vmem>>, vector<1x16xf32>,
      %broadcast_in_dim3A_35 = arith.constant 0.000000e+00 : f32
      %broadcast_in_dim3A_36 = vector.broadcast %broadcast_in_dim3A_35 : f32 to vector<16xf32>
      %swap3A_37 = arith.index_cast %scan3A_28 : i32 to index
      %swap3A_38 = arith.constant 16 : index
      %swap3A_39 = tpu.vector_load %arg8[%swap3A_37, %swap3A_38] {strides = array<i32>} : memref<400x32xf32, #tpu.memory_space<vmem>>, vector<1x16xf32>,
      %swap3A_40 = vector.shape_cast %swap3A_39 : vector<1x16xf32> to vector<16xf32>
      %swap3A_41 = vector.shape_cast %broadcast_in_dim3A_36 : vector<16xf32> to vector<1x16xf32>
      tpu.vector_store %arg8[%swap3A_37, %swap3A_38], %swap3A_41 {strides = array<i32>} : memref<400x32xf32, #tpu.memory_space<vmem>>, vector<1x16xf32>,
      %scan3A_42 = arith.constant 0 : i32
      scf.yield %scan3A_42 : i32
    }
    %scan3A_5 = arith.constant 400 : i32
    %scan3A_6 = arith.constant 0 : i32
    %scan3A_7 = arith.constant 0 : i32
    %scan3A_8 = arith.constant 8 : i32
    %scan3A_9 = arith.addi %scan3A_7, %scan3A_8 : i32
    %scan3A_10 = arith.constant 1 : i32
    %scan3A_11 = scf.for %scan3A_28 = %scan3A_7 to %scan3A_9 step %scan3A_10 iter_args(%scan3A_29 = %scan3A_6) -> (i32)  : i32 {
      %mul3A = arith.constant 3136 : i32
      %mul3A_30 = arith.muli %arg1, %mul3A : i32
      %mul3A_31 = arith.constant 392 : i32
      %mul3A_32 = arith.muli %scan3A_28, %mul3A_31 : i32
      %add3A = arith.addi %mul3A_30, %mul3A_32 : i32
      "tpu.region"() ({
        %run_scoped3A = tpu.sem_alloc : memref<!tpu.dma_semaphore, #tpu.memory_space<semaphore_mem>>
        %dma_start3A = arith.constant 0 : i32
        %dma_start3A_34 = arith.constant 0 : i32
        %dma_start3A_35 = tpu.memref_slice %arg8[%dma_start3A, %dma_start3A_34] : memref<400x32xf32, #tpu.memory_space<vmem>> -> memref<392x32xf32, #tpu.memory_space<vmem>>
        %dma_start3A_36 = arith.constant 0 : i32
        %dma_start3A_37 = tpu.memref_slice %arg10[%add3A, %dma_start3A_36] : memref<50176x32xf32, #tpu.memory_space<vmem_shared>> -> memref<392x32xf32, #tpu.memory_space<vmem_shared>>
        %dma_start3A_38 = arith.constant 0 : i32
        %dma_start3A_39 = tpu.memref_slice %arg10[%add3A, %dma_start3A_38] : memref<50176x32xf32, #tpu.memory_space<vmem_shared>> -> memref<392x32xf32, #tpu.memory_space<vmem_shared>>
        %dma_start3A_40 = arith.constant 0 : i32
        %dma_start3A_41 = arith.constant 0 : i32
        %dma_start3A_42 = tpu.memref_slice %arg8[%dma_start3A_40, %dma_start3A_41] : memref<400x32xf32, #tpu.memory_space<vmem>> -> memref<392x32xf32, #tpu.memory_space<vmem>>
        tpu.enqueue_dma source(%dma_start3A_42 : memref<392x32xf32, #tpu.memory_space<vmem>>) target(%dma_start3A_39 : memref<392x32xf32, #tpu.memory_space<vmem_shared>>) target_semaphore(%run_scoped3A : memref<!tpu.dma_semaphore, #tpu.memory_space<semaphore_mem>>)
        %dma_wait3A = arith.constant 0 : i32
        %dma_wait3A_43 = arith.constant 0 : i32
        %dma_wait3A_44 = tpu.memref_slice %arg8[%dma_wait3A, %dma_wait3A_43] : memref<400x32xf32, #tpu.memory_space<vmem>> -> memref<392x32xf32, #tpu.memory_space<vmem>>
        %dma_wait3A_45 = arith.constant 0 : i32
        %dma_wait3A_46 = tpu.memref_slice %arg10[%add3A, %dma_wait3A_45] : memref<50176x32xf32, #tpu.memory_space<vmem_shared>> -> memref<392x32xf32, #tpu.memory_space<vmem_shared>>
        %dma_wait3A_47 = arith.constant 0 : i32
        %dma_wait3A_48 = tpu.memref_slice %arg10[%add3A, %dma_wait3A_47] : memref<50176x32xf32, #tpu.memory_space<vmem_shared>> -> memref<392x32xf32, #tpu.memory_space<vmem_shared>>
        %dma_wait3A_49 = arith.constant 0 : i32
        %dma_wait3A_50 = arith.constant 0 : i32
        %dma_wait3A_51 = tpu.memref_slice %arg8[%dma_wait3A_49, %dma_wait3A_50] : memref<400x32xf32, #tpu.memory_space<vmem>> -> memref<392x32xf32, #tpu.memory_space<vmem>>
        tpu.wait_dma2 semaphore(%run_scoped3A : memref<!tpu.dma_semaphore, #tpu.memory_space<semaphore_mem>>) src(%dma_wait3A_51 : memref<392x32xf32, #tpu.memory_space<vmem>>) dst(%dma_wait3A_48 : memref<392x32xf32, #tpu.memory_space<vmem_shared>>)
        tpu.yield
      }) : () -> ()
      %scan3A_33 = arith.constant 0 : i32
      scf.yield %scan3A_33 : i32
    }
    %scan3A_12 = arith.constant 8 : i32
    %barrier3A = arith.constant 0 : index
    tpu.barrier barrier_id(%barrier3A)
    %scan3A_13 = arith.constant 0 : i32
    %scan3A_14 = arith.constant 0 : i32
    %scan3A_15 = arith.constant 125 : i32
    %scan3A_16 = arith.addi %scan3A_14, %scan3A_15 : i32
    %scan3A_17 = arith.constant 1 : i32
    %scan3A_18 = scf.for %scan3A_28 = %scan3A_14 to %scan3A_16 step %scan3A_17 iter_args(%scan3A_29 = %scan3A_13) -> (i32)  : i32 {
      %mul3A = arith.constant 50000 : i32
      %mul3A_30 = arith.muli %arg1, %mul3A : i32
      %mul3A_31 = arith.constant 400 : i32
      %mul3A_32 = arith.muli %scan3A_28, %mul3A_31 : i32
      %add3A = arith.addi %mul3A_30, %mul3A_32 : i32
      %mul3A_33 = arith.constant 800000 : i32
      %mul3A_34 = arith.muli %arg0, %mul3A_33 : i32
      %add3A_35 = arith.addi %mul3A_34, %add3A : i32
      "tpu.region"() ({
        %run_scoped3A = tpu.sem_alloc : memref<!tpu.dma_semaphore, #tpu.memory_space<semaphore_mem>>
        %dma_start3A_41 = tpu.memref_slice %arg3[%add3A_35] : memref<1600000xi32, #tpu.memory_space<hbm>> -> memref<400xi32, #tpu.memory_space<hbm>>
        %dma_start3A_42 = tpu.memref_slice %arg3[%add3A_35] : memref<1600000xi32, #tpu.memory_space<hbm>> -> memref<400xi32, #tpu.memory_space<hbm>>
        tpu.enqueue_dma source(%dma_start3A_42 : memref<400xi32, #tpu.memory_space<hbm>>) target(%arg6 : memref<400xi32, #tpu.memory_space<vmem>>) target_semaphore(%run_scoped3A : memref<!tpu.dma_semaphore, #tpu.memory_space<semaphore_mem>>)
        %dma_wait3A_43 = tpu.memref_slice %arg3[%add3A_35] : memref<1600000xi32, #tpu.memory_space<hbm>> -> memref<400xi32, #tpu.memory_space<hbm>>
        %dma_wait3A_44 = tpu.memref_slice %arg3[%add3A_35] : memref<1600000xi32, #tpu.memory_space<hbm>> -> memref<400xi32, #tpu.memory_space<hbm>>
        tpu.wait_dma2 semaphore(%run_scoped3A : memref<!tpu.dma_semaphore, #tpu.memory_space<semaphore_mem>>) src(%dma_wait3A_44 : memref<400xi32, #tpu.memory_space<hbm>>) dst(%arg6 : memref<400xi32, #tpu.memory_space<vmem>>)
        tpu.yield
      }) : () -> ()
      "tpu.region"() ({
        %run_scoped3A = tpu.sem_alloc : memref<!tpu.dma_semaphore, #tpu.memory_space<semaphore_mem>>
        %dma_start3A_41 = tpu.memref_slice %arg4[%add3A] : memref<800000xi32, #tpu.memory_space<hbm>> -> memref<400xi32, #tpu.memory_space<hbm>>
        %dma_start3A_42 = tpu.memref_slice %arg4[%add3A] : memref<800000xi32, #tpu.memory_space<hbm>> -> memref<400xi32, #tpu.memory_space<hbm>>
        tpu.enqueue_dma source(%dma_start3A_42 : memref<400xi32, #tpu.memory_space<hbm>>) target(%arg7 : memref<400xi32, #tpu.memory_space<vmem>>) target_semaphore(%run_scoped3A : memref<!tpu.dma_semaphore, #tpu.memory_space<semaphore_mem>>)
        %dma_wait3A_43 = tpu.memref_slice %arg4[%add3A] : memref<800000xi32, #tpu.memory_space<hbm>> -> memref<400xi32, #tpu.memory_space<hbm>>
        %dma_wait3A_44 = tpu.memref_slice %arg4[%add3A] : memref<800000xi32, #tpu.memory_space<hbm>> -> memref<400xi32, #tpu.memory_space<hbm>>
        tpu.wait_dma2 semaphore(%run_scoped3A : memref<!tpu.dma_semaphore, #tpu.memory_space<semaphore_mem>>) src(%dma_wait3A_44 : memref<400xi32, #tpu.memory_space<hbm>>) dst(%arg7 : memref<400xi32, #tpu.memory_space<vmem>>)
        tpu.yield
      }) : () -> ()
      %dma_start3A = arith.constant 0 : i32
      %dma_start3A_36 = arith.constant 0 : i32
      %dma_start3A_37 = tpu.memref_slice %arg2[%dma_start3A, %dma_start3A_36] : memref<100352x32xf32, #tpu.memory_space<hbm>> -> memref<100352x32xf32, #tpu.memory_space<hbm>>
      tpu.enqueue_indirect_dma source(%dma_start3A_37 : memref<100352x32xf32, #tpu.memory_space<hbm>>) target(%arg8 : memref<400x32xf32, #tpu.memory_space<vmem>>) offsets(%arg6 : memref<400xi32, #tpu.memory_space<vmem>>) semaphore(%arg9 : memref<!tpu.dma_semaphore, #tpu.memory_space<semaphore_mem>>)
      %dma_wait3A = arith.constant 0 : i32
      %dma_wait3A_38 = arith.constant 0 : i32
      %dma_wait3A_39 = tpu.memref_slice %arg2[%dma_wait3A, %dma_wait3A_38] : memref<100352x32xf32, #tpu.memory_space<hbm>> -> memref<100352x32xf32, #tpu.memory_space<hbm>>
      tpu.wait_indirect_dma semaphore(%arg9 : memref<!tpu.dma_semaphore, #tpu.memory_space<semaphore_mem>>) src(%dma_wait3A_39 : memref<100352x32xf32, #tpu.memory_space<hbm>>) dst(%arg8 : memref<400x32xf32, #tpu.memory_space<vmem>>)
      "tpu.region"() ({
        %run_scoped3A = tpu.sem_alloc : memref<!tpu.dma_semaphore, #tpu.memory_space<semaphore_mem>>
        %dma_start3A_41 = arith.constant 0 : i32
        %dma_start3A_42 = arith.constant 0 : i32
        %dma_start3A_43 = tpu.memref_slice %arg10[%dma_start3A_41, %dma_start3A_42] : memref<50176x32xf32, #tpu.memory_space<vmem_shared>> -> memref<50176x32xf32, #tpu.memory_space<vmem_shared>>
        tpu.enqueue_indirect_dma source(%arg8 : memref<400x32xf32, #tpu.memory_space<vmem>>) target(%dma_start3A_43 : memref<50176x32xf32, #tpu.memory_space<vmem_shared>>) offsets(%arg7 : memref<400xi32, #tpu.memory_space<vmem>>) semaphore(%run_scoped3A : memref<!tpu.dma_semaphore, #tpu.memory_space<semaphore_mem>>) {add = true}
        %dma_wait3A_44 = arith.constant 0 : i32
        %dma_wait3A_45 = arith.constant 0 : i32
        %dma_wait3A_46 = tpu.memref_slice %arg10[%dma_wait3A_44, %dma_wait3A_45] : memref<50176x32xf32, #tpu.memory_space<vmem_shared>> -> memref<50176x32xf32, #tpu.memory_space<vmem_shared>>
        tpu.wait_indirect_dma semaphore(%run_scoped3A : memref<!tpu.dma_semaphore, #tpu.memory_space<semaphore_mem>>) src(%arg8 : memref<400x32xf32, #tpu.memory_space<vmem>>) dst(%dma_wait3A_46 : memref<50176x32xf32, #tpu.memory_space<vmem_shared>>)
        tpu.yield
      }) : () -> ()
      %scan3A_40 = arith.constant 0 : i32
      scf.yield %scan3A_40 : i32
    }
    %scan3A_19 = arith.constant 125 : i32
    %barrier3A_20 = arith.constant 0 : index
    tpu.barrier barrier_id(%barrier3A_20)
    %scan3A_21 = arith.constant 0 : i32
    %scan3A_22 = arith.constant 0 : i32
    %scan3A_23 = arith.constant 8 : i32
    %scan3A_24 = arith.addi %scan3A_22, %scan3A_23 : i32
    %scan3A_25 = arith.constant 1 : i32
    %scan3A_26 = scf.for %scan3A_28 = %scan3A_22 to %scan3A_24 step %scan3A_25 iter_args(%scan3A_29 = %scan3A_21) -> (i32)  : i32 {
      %mul3A = arith.constant 3136 : i32
      %mul3A_30 = arith.muli %arg1, %mul3A : i32
      %mul3A_31 = arith.constant 392 : i32
      %mul3A_32 = arith.muli %scan3A_28, %mul3A_31 : i32
      %add3A = arith.addi %mul3A_30, %mul3A_32 : i32
      "tpu.region"() ({
        %run_scoped3A = tpu.sem_alloc : memref<!tpu.dma_semaphore, #tpu.memory_space<semaphore_mem>>
        %dma_start3A = arith.constant 0 : i32
        %dma_start3A_42 = arith.constant 0 : i32
        %dma_start3A_43 = tpu.memref_slice %arg8[%dma_start3A, %dma_start3A_42] : memref<400x32xf32, #tpu.memory_space<vmem>> -> memref<392x32xf32, #tpu.memory_space<vmem>>
        %dma_start3A_44 = arith.constant 0 : i32
        %dma_start3A_45 = tpu.memref_slice %arg10[%add3A, %dma_start3A_44] : memref<50176x32xf32, #tpu.memory_space<vmem_shared>> -> memref<392x32xf32, #tpu.memory_space<vmem_shared>>
        %dma_start3A_46 = arith.constant 0 : i32
        %dma_start3A_47 = arith.constant 0 : i32
        %dma_start3A_48 = tpu.memref_slice %arg8[%dma_start3A_46, %dma_start3A_47] : memref<400x32xf32, #tpu.memory_space<vmem>> -> memref<392x32xf32, #tpu.memory_space<vmem>>
        %dma_start3A_49 = arith.constant 0 : i32
        %dma_start3A_50 = tpu.memref_slice %arg10[%add3A, %dma_start3A_49] : memref<50176x32xf32, #tpu.memory_space<vmem_shared>> -> memref<392x32xf32, #tpu.memory_space<vmem_shared>>
        tpu.enqueue_dma source(%dma_start3A_50 : memref<392x32xf32, #tpu.memory_space<vmem_shared>>) target(%dma_start3A_48 : memref<392x32xf32, #tpu.memory_space<vmem>>) target_semaphore(%run_scoped3A : memref<!tpu.dma_semaphore, #tpu.memory_space<semaphore_mem>>)
        %dma_wait3A = arith.constant 0 : i32
        %dma_wait3A_51 = arith.constant 0 : i32
        %dma_wait3A_52 = tpu.memref_slice %arg8[%dma_wait3A, %dma_wait3A_51] : memref<400x32xf32, #tpu.memory_space<vmem>> -> memref<392x32xf32, #tpu.memory_space<vmem>>
        %dma_wait3A_53 = arith.constant 0 : i32
        %dma_wait3A_54 = tpu.memref_slice %arg10[%add3A, %dma_wait3A_53] : memref<50176x32xf32, #tpu.memory_space<vmem_shared>> -> memref<392x32xf32, #tpu.memory_space<vmem_shared>>
        %dma_wait3A_55 = arith.constant 0 : i32
        %dma_wait3A_56 = arith.constant 0 : i32
        %dma_wait3A_57 = tpu.memref_slice %arg8[%dma_wait3A_55, %dma_wait3A_56] : memref<400x32xf32, #tpu.memory_space<vmem>> -> memref<392x32xf32, #tpu.memory_space<vmem>>
        %dma_wait3A_58 = arith.constant 0 : i32
        %dma_wait3A_59 = tpu.memref_slice %arg10[%add3A, %dma_wait3A_58] : memref<50176x32xf32, #tpu.memory_space<vmem_shared>> -> memref<392x32xf32, #tpu.memory_space<vmem_shared>>
        tpu.wait_dma2 semaphore(%run_scoped3A : memref<!tpu.dma_semaphore, #tpu.memory_space<semaphore_mem>>) src(%dma_wait3A_59 : memref<392x32xf32, #tpu.memory_space<vmem_shared>>) dst(%dma_wait3A_57 : memref<392x32xf32, #tpu.memory_space<vmem>>)
        tpu.yield
      }) : () -> ()
      %mul3A_33 = arith.constant 50176 : i32
      %mul3A_34 = arith.muli %arg0, %mul3A_33 : i32
      %mul3A_35 = arith.constant 3136 : i32
      %mul3A_36 = arith.muli %arg1, %mul3A_35 : i32
      %add3A_37 = arith.addi %mul3A_34, %mul3A_36 : i32
      %mul3A_38 = arith.constant 392 : i32
      %mul3A_39 = arith.muli %scan3A_28, %mul3A_38 : i32
      %add3A_40 = arith.addi %add3A_37, %mul3A_39 : i32
      "tpu.region"() ({
        %run_scoped3A = tpu.sem_alloc : memref<!tpu.dma_semaphore, #tpu.memory_space<semaphore_mem>>
        %dma_start3A = arith.constant 0 : i32
        %dma_start3A_42 = arith.constant 0 : i32
        %dma_start3A_43 = tpu.memref_slice %arg8[%dma_start3A, %dma_start3A_42] : memref<400x32xf32, #tpu.memory_space<vmem>> -> memref<392x32xf32, #tpu.memory_space<vmem>>
        %dma_start3A_44 = arith.constant 0 : i32
        %dma_start3A_45 = tpu.memref_slice %arg5[%add3A_40, %dma_start3A_44] : memref<100352x32xf32, #tpu.memory_space<hbm>> -> memref<392x32xf32, #tpu.memory_space<hbm>>
        %dma_start3A_46 = arith.constant 0 : i32
        %dma_start3A_47 = tpu.memref_slice %arg5[%add3A_40, %dma_start3A_46] : memref<100352x32xf32, #tpu.memory_space<hbm>> -> memref<392x32xf32, #tpu.memory_space<hbm>>
        %dma_start3A_48 = arith.constant 0 : i32
        %dma_start3A_49 = arith.constant 0 : i32
        %dma_start3A_50 = tpu.memref_slice %arg8[%dma_start3A_48, %dma_start3A_49] : memref<400x32xf32, #tpu.memory_space<vmem>> -> memref<392x32xf32, #tpu.memory_space<vmem>>
        tpu.enqueue_dma source(%dma_start3A_50 : memref<392x32xf32, #tpu.memory_space<vmem>>) target(%dma_start3A_47 : memref<392x32xf32, #tpu.memory_space<hbm>>) target_semaphore(%run_scoped3A : memref<!tpu.dma_semaphore, #tpu.memory_space<semaphore_mem>>)
        %dma_wait3A = arith.constant 0 : i32
        %dma_wait3A_51 = arith.constant 0 : i32
        %dma_wait3A_52 = tpu.memref_slice %arg8[%dma_wait3A, %dma_wait3A_51] : memref<400x32xf32, #tpu.memory_space<vmem>> -> memref<392x32xf32, #tpu.memory_space<vmem>>
        %dma_wait3A_53 = arith.constant 0 : i32
        %dma_wait3A_54 = tpu.memref_slice %arg5[%add3A_40, %dma_wait3A_53] : memref<100352x32xf32, #tpu.memory_space<hbm>> -> memref<392x32xf32, #tpu.memory_space<hbm>>
        %dma_wait3A_55 = arith.constant 0 : i32
        %dma_wait3A_56 = tpu.memref_slice %arg5[%add3A_40, %dma_wait3A_55] : memref<100352x32xf32, #tpu.memory_space<hbm>> -> memref<392x32xf32, #tpu.memory_space<hbm>>
        %dma_wait3A_57 = arith.constant 0 : i32
        %dma_wait3A_58 = arith.constant 0 : i32
        %dma_wait3A_59 = tpu.memref_slice %arg8[%dma_wait3A_57, %dma_wait3A_58] : memref<400x32xf32, #tpu.memory_space<vmem>> -> memref<392x32xf32, #tpu.memory_space<vmem>>
        tpu.wait_dma2 semaphore(%run_scoped3A : memref<!tpu.dma_semaphore, #tpu.memory_space<semaphore_mem>>) src(%dma_wait3A_59 : memref<392x32xf32, #tpu.memory_space<vmem>>) dst(%dma_wait3A_56 : memref<392x32xf32, #tpu.memory_space<hbm>>)
        tpu.yield
      }) : () -> ()
      %scan3A_41 = arith.constant 0 : i32
      scf.yield %scan3A_41 : i32
    }
    %scan3A_27 = arith.constant 8 : i32
    return
  }
}

module attributes {stable_mosaic.version = 14 : i64} {
  func.func @_mm1_body(%arg0: i32, %arg1: i32, %arg2: memref<512x60xf32, #tpu.memory_space<vmem>>, %arg3: memref<1x60x32xf32, #tpu.memory_space<vmem>>, %arg4: memref<512x1xf32, #tpu.memory_space<vmem>>, %arg5: memref<512x1xf32, #tpu.memory_space<vmem>>, %arg6: memref<512x32xf32, #tpu.memory_space<vmem>>, %arg7: memref<512x1xf32, #tpu.memory_space<vmem>>) attributes {dimension_semantics = [#tpu.dimension_semantics<arbitrary>, #tpu.dimension_semantics<arbitrary>], iteration_bounds = array<i64: 98, 2>, scalar_prefetch = 0 : i64, scratch_operands = 0 : i64, tpu.core_type = #tpu.core_type<tc>, window_params = [{transform_indices = @transform_0, window_bounds = array<i64: 512, 60>}, {transform_indices = @transform_1, window_bounds = array<i64: 1, 60, 32>}, {transform_indices = @transform_2, window_bounds = array<i64: 512, 1>}, {transform_indices = @transform_3, window_bounds = array<i64: 512, 1>}, {transform_indices = @transform_4, window_bounds = array<i64: 512, 32>}, {transform_indices = @transform_5, window_bounds = array<i64: 512, 1>}]} {
    %get3A = arith.constant 0 : index
    %get3A_0 = arith.constant 0 : index
    %get3A_1 = vector.load %arg4[%get3A, %get3A_0] : memref<512x1xf32, #tpu.memory_space<vmem>>, vector<512x1xf32>
    %get3A_2 = arith.constant 0 : index
    %get3A_3 = arith.constant 0 : index
    %get3A_4 = vector.load %arg5[%get3A_2, %get3A_3] : memref<512x1xf32, #tpu.memory_space<vmem>>, vector<512x1xf32>
    %add3A = arith.addf %get3A_1, %get3A_4 : vector<512x1xf32>
    %add3A_5 = arith.constant 1.000000e+00 : f32
    %add3A_6 = vector.broadcast %add3A_5 : f32 to vector<512x1xf32>
    %add3A_7 = arith.addf %add3A, %add3A_6 : vector<512x1xf32>
    %rsqrt3A = math.rsqrt %add3A_7 : vector<512x1xf32>
    %swap3A = arith.constant 0 : index
    %swap3A_8 = arith.constant 0 : index
    %swap3A_9 = vector.load %arg7[%swap3A, %swap3A_8] : memref<512x1xf32, #tpu.memory_space<vmem>>, vector<512x1xf32>
    tpu.vector_store %arg7[%swap3A, %swap3A_8], %rsqrt3A {strides = array<i32>} : memref<512x1xf32, #tpu.memory_space<vmem>>, vector<512x1xf32>,
    %get3A_10 = arith.constant 0 : index
    %get3A_11 = arith.constant 0 : index
    %get3A_12 = vector.load %arg2[%get3A_10, %get3A_11] : memref<512x60xf32, #tpu.memory_space<vmem>>, vector<512x60xf32>
    %get3A_13 = arith.constant 0 : index
    %get3A_14 = arith.constant 0 : index
    %get3A_15 = arith.constant 0 : index
    %get3A_16 = vector.load %arg3[%get3A_13, %get3A_14, %get3A_15] : memref<1x60x32xf32, #tpu.memory_space<vmem>>, vector<1x60x32xf32>
    %get3A_17 = vector.shape_cast %get3A_16 : vector<1x60x32xf32> to vector<60x32xf32>
    %dot_general3A = arith.constant dense<0.000000e+00> : vector<512x32xf32>
    %dot_general3A_18 = tpu.matmul %get3A_12, %get3A_17, %dot_general3A {dimension_numbers = #tpu.dot_dimension_numbers<[1], [0], [0], [1], [0, 0, 1, 1], [], []>, transpose_lhs_hint = false} : vector<512x60xf32>, vector<60x32xf32>, vector<512x32xf32> -> vector<512x32xf32>
    %mul3A = vector.broadcast %rsqrt3A : vector<512x1xf32> to vector<512x32xf32>
    %mul3A_19 = arith.mulf %dot_general3A_18, %mul3A : vector<512x32xf32>
    %swap3A_20 = arith.constant 0 : index
    %swap3A_21 = arith.constant 0 : index
    %swap3A_22 = vector.load %arg6[%swap3A_20, %swap3A_21] : memref<512x32xf32, #tpu.memory_space<vmem>>, vector<512x32xf32>
    tpu.vector_store %arg6[%swap3A_20, %swap3A_21], %mul3A_19 {strides = array<i32>} : memref<512x32xf32, #tpu.memory_space<vmem>>, vector<512x32xf32>,
    return
  }
  func.func @transform_0(%arg0: i32, %arg1: i32) -> (i32, i32) {
    %c0_i32 = arith.constant 0 : i32
    %c0_i32_0 = arith.constant 0 : i32
    return %arg0, %c0_i32 : i32, i32
  }
  func.func @transform_1(%arg0: i32, %arg1: i32) -> (i32, i32, i32) {
    %c0_i32 = arith.constant 0 : i32
    %c0_i32_0 = arith.constant 0 : i32
    %c0_i32_1 = arith.constant 0 : i32
    return %arg1, %c0_i32, %c0_i32_0 : i32, i32, i32
  }
  func.func @transform_2(%arg0: i32, %arg1: i32) -> (i32, i32) {
    %c0_i32 = arith.constant 0 : i32
    %c0_i32_0 = arith.constant 0 : i32
    return %arg0, %c0_i32 : i32, i32
  }
  func.func @transform_3(%arg0: i32, %arg1: i32) -> (i32, i32) {
    %add3A = arith.constant 98 : i32
    %add3A_0 = arith.addi %add3A, %arg0 : i32
    %c0_i32 = arith.constant 0 : i32
    %c0_i32_1 = arith.constant 0 : i32
    return %add3A_0, %c0_i32 : i32, i32
  }
  func.func @transform_4(%arg0: i32, %arg1: i32) -> (i32, i32) {
    %mul3A = arith.constant 98 : i32
    %mul3A_0 = arith.muli %arg1, %mul3A : i32
    %add3A = arith.addi %mul3A_0, %arg0 : i32
    %c0_i32 = arith.constant 0 : i32
    %c0_i32_1 = arith.constant 0 : i32
    return %add3A, %c0_i32 : i32, i32
  }
  func.func @transform_5(%arg0: i32, %arg1: i32) -> (i32, i32) {
    %c0_i32 = arith.constant 0 : i32
    %c0_i32_0 = arith.constant 0 : i32
    return %arg0, %c0_i32 : i32, i32
  }
}

module attributes {stable_mosaic.version = 14 : i64} {
  func.func @_mid_body(%arg0: i32, %arg1: i32, %arg2: memref<512x32xf32, #tpu.memory_space<vmem>>, %arg3: memref<512x32xf32, #tpu.memory_space<vmem>>, %arg4: memref<512x32xf32, #tpu.memory_space<vmem>>, %arg5: memref<512x32xf32, #tpu.memory_space<vmem>>, %arg6: memref<512x1xf32, #tpu.memory_space<vmem>>, %arg7: memref<1x64xf32, #tpu.memory_space<vmem>>, %arg8: memref<1x64x32xf32, #tpu.memory_space<vmem>>, %arg9: memref<512x32xf32, #tpu.memory_space<vmem>>) attributes {dimension_semantics = [#tpu.dimension_semantics<arbitrary>, #tpu.dimension_semantics<arbitrary>], iteration_bounds = array<i64: 98, 2>, scalar_prefetch = 0 : i64, scratch_operands = 0 : i64, tpu.core_type = #tpu.core_type<tc>, window_params = [{transform_indices = @transform_0, window_bounds = array<i64: 512, 32>}, {transform_indices = @transform_1, window_bounds = array<i64: 512, 32>}, {transform_indices = @transform_2, window_bounds = array<i64: 512, 32>}, {transform_indices = @transform_3, window_bounds = array<i64: 512, 32>}, {transform_indices = @transform_4, window_bounds = array<i64: 512, 1>}, {pipeline_mode = #tpu.pipeline_mode<synchronous>, transform_indices = @transform_5, window_bounds = array<i64: 1, 64>}, {transform_indices = @transform_6, window_bounds = array<i64: 1, 64, 32>}, {transform_indices = @transform_7, window_bounds = array<i64: 512, 32>}]} {
    %get3A = arith.constant 0 : index
    %get3A_0 = arith.constant 0 : index
    %get3A_1 = vector.load %arg2[%get3A, %get3A_0] : memref<512x32xf32, #tpu.memory_space<vmem>>, vector<512x32xf32>
    %get3A_2 = arith.constant 0 : index
    %get3A_3 = arith.constant 0 : index
    %get3A_4 = vector.load %arg4[%get3A_2, %get3A_3] : memref<512x32xf32, #tpu.memory_space<vmem>>, vector<512x32xf32>
    %add3A = arith.addf %get3A_1, %get3A_4 : vector<512x32xf32>
    %get3A_5 = arith.constant 0 : index
    %get3A_6 = arith.constant 0 : index
    %get3A_7 = vector.load %arg3[%get3A_5, %get3A_6] : memref<512x32xf32, #tpu.memory_space<vmem>>, vector<512x32xf32>
    %get3A_8 = arith.constant 0 : index
    %get3A_9 = arith.constant 0 : index
    %get3A_10 = vector.load %arg5[%get3A_8, %get3A_9] : memref<512x32xf32, #tpu.memory_space<vmem>>, vector<512x32xf32>
    %add3A_11 = arith.addf %get3A_7, %get3A_10 : vector<512x32xf32>
    %concatenate3A = tpu.concatenate %add3A, %add3A_11 in 1 : vector<512x32xf32>, vector<512x32xf32> -> vector<512x64xf32>
    %get3A_12 = arith.constant 0 : index
    %get3A_13 = arith.constant 0 : index
    %get3A_14 = vector.load %arg6[%get3A_12, %get3A_13] : memref<512x1xf32, #tpu.memory_space<vmem>>, vector<512x1xf32>
    %mul3A = vector.broadcast %get3A_14 : vector<512x1xf32> to vector<512x64xf32>
    %mul3A_15 = arith.mulf %concatenate3A, %mul3A : vector<512x64xf32>
    %get3A_16 = arith.constant 0 : index
    %get3A_17 = arith.constant 0 : index
    %get3A_18 = vector.load %arg7[%get3A_16, %get3A_17] : memref<1x64xf32, #tpu.memory_space<vmem>>, vector<1x64xf32>
    %add3A_19 = vector.broadcast %get3A_18 : vector<1x64xf32> to vector<512x64xf32>
    %add3A_20 = arith.addf %mul3A_15, %add3A_19 : vector<512x64xf32>
    %max3A = arith.constant 0.000000e+00 : f32
    %max3A_21 = vector.broadcast %max3A : f32 to vector<512x64xf32>
    %max3A_22 = arith.maximumf %add3A_20, %max3A_21 : vector<512x64xf32>
    %get3A_23 = arith.constant 0 : index
    %get3A_24 = arith.constant 0 : index
    %get3A_25 = arith.constant 0 : index
    %get3A_26 = vector.load %arg8[%get3A_23, %get3A_24, %get3A_25] : memref<1x64x32xf32, #tpu.memory_space<vmem>>, vector<1x64x32xf32>
    %get3A_27 = vector.shape_cast %get3A_26 : vector<1x64x32xf32> to vector<64x32xf32>
    %dot_general3A = arith.constant dense<0.000000e+00> : vector<512x32xf32>
    %dot_general3A_28 = tpu.matmul %max3A_22, %get3A_27, %dot_general3A {dimension_numbers = #tpu.dot_dimension_numbers<[1], [0], [0], [1], [0, 0, 1, 1], [], []>, transpose_lhs_hint = false} : vector<512x64xf32>, vector<64x32xf32>, vector<512x32xf32> -> vector<512x32xf32>
    %get3A_29 = arith.constant 0 : index
    %get3A_30 = arith.constant 0 : index
    %get3A_31 = vector.load %arg6[%get3A_29, %get3A_30] : memref<512x1xf32, #tpu.memory_space<vmem>>, vector<512x1xf32>
    %mul3A_32 = vector.broadcast %get3A_31 : vector<512x1xf32> to vector<512x32xf32>
    %mul3A_33 = arith.mulf %dot_general3A_28, %mul3A_32 : vector<512x32xf32>
    %swap3A = arith.constant 0 : index
    %swap3A_34 = arith.constant 0 : index
    %swap3A_35 = vector.load %arg9[%swap3A, %swap3A_34] : memref<512x32xf32, #tpu.memory_space<vmem>>, vector<512x32xf32>
    tpu.vector_store %arg9[%swap3A, %swap3A_34], %mul3A_33 {strides = array<i32>} : memref<512x32xf32, #tpu.memory_space<vmem>>, vector<512x32xf32>,
    return
  }
  func.func @transform_0(%arg0: i32, %arg1: i32) -> (i32, i32) {
    %c0_i32 = arith.constant 0 : i32
    %c0_i32_0 = arith.constant 0 : i32
    return %arg0, %c0_i32 : i32, i32
  }
  func.func @transform_1(%arg0: i32, %arg1: i32) -> (i32, i32) {
    %add3A = arith.constant 98 : i32
    %add3A_0 = arith.addi %add3A, %arg0 : i32
    %c0_i32 = arith.constant 0 : i32
    %c0_i32_1 = arith.constant 0 : i32
    return %add3A_0, %c0_i32 : i32, i32
  }
  func.func @transform_2(%arg0: i32, %arg1: i32) -> (i32, i32) {
    %c0_i32 = arith.constant 0 : i32
    %c0_i32_0 = arith.constant 0 : i32
    return %arg0, %c0_i32 : i32, i32
  }
  func.func @transform_3(%arg0: i32, %arg1: i32) -> (i32, i32) {
    %add3A = arith.constant 98 : i32
    %add3A_0 = arith.addi %add3A, %arg0 : i32
    %c0_i32 = arith.constant 0 : i32
    %c0_i32_1 = arith.constant 0 : i32
    return %add3A_0, %c0_i32 : i32, i32
  }
  func.func @transform_4(%arg0: i32, %arg1: i32) -> (i32, i32) {
    %c0_i32 = arith.constant 0 : i32
    %c0_i32_0 = arith.constant 0 : i32
    return %arg0, %c0_i32 : i32, i32
  }
  func.func @transform_5(%arg0: i32, %arg1: i32) -> (i32, i32) {
    %c0_i32 = arith.constant 0 : i32
    %c0_i32_0 = arith.constant 0 : i32
    %c0_i32_1 = arith.constant 0 : i32
    return %c0_i32, %c0_i32_0 : i32, i32
  }
  func.func @transform_6(%arg0: i32, %arg1: i32) -> (i32, i32, i32) {
    %c0_i32 = arith.constant 0 : i32
    %c0_i32_0 = arith.constant 0 : i32
    %c0_i32_1 = arith.constant 0 : i32
    return %arg1, %c0_i32, %c0_i32_0 : i32, i32, i32
  }
  func.func @transform_7(%arg0: i32, %arg1: i32) -> (i32, i32) {
    %mul3A = arith.constant 98 : i32
    %mul3A_0 = arith.muli %arg1, %mul3A : i32
    %add3A = arith.addi %mul3A_0, %arg0 : i32
    %c0_i32 = arith.constant 0 : i32
    %c0_i32_1 = arith.constant 0 : i32
    return %add3A, %c0_i32 : i32, i32
  }
}

module attributes {stable_mosaic.version = 14 : i64} {
  func.func @_out_body(%arg0: i32, %arg1: memref<512x32xf32, #tpu.memory_space<vmem>>, %arg2: memref<512x32xf32, #tpu.memory_space<vmem>>, %arg3: memref<512x32xf32, #tpu.memory_space<vmem>>, %arg4: memref<512x32xf32, #tpu.memory_space<vmem>>, %arg5: memref<512x1xf32, #tpu.memory_space<vmem>>, %arg6: memref<1x64xf32, #tpu.memory_space<vmem>>, %arg7: memref<64x32xf32, #tpu.memory_space<vmem>>, %arg8: memref<1x32xf32, #tpu.memory_space<vmem>>, %arg9: memref<32x1xf32, #tpu.memory_space<vmem>>, %arg10: memref<1x1xf32, #tpu.memory_space<vmem>>, %arg11: memref<512x1xf32, #tpu.memory_space<vmem>>, %arg12: memref<512x64xf32, #tpu.memory_space<vmem>>) attributes {dimension_semantics = [#tpu.dimension_semantics<arbitrary>], iteration_bounds = array<i64: 98>, scalar_prefetch = 0 : i64, scratch_operands = 0 : i64, tpu.core_type = #tpu.core_type<tc>, window_params = [{transform_indices = @transform_0, window_bounds = array<i64: 512, 32>}, {transform_indices = @transform_1, window_bounds = array<i64: 512, 32>}, {transform_indices = @transform_2, window_bounds = array<i64: 512, 32>}, {transform_indices = @transform_3, window_bounds = array<i64: 512, 32>}, {transform_indices = @transform_4, window_bounds = array<i64: 512, 1>}, {pipeline_mode = #tpu.pipeline_mode<synchronous>, transform_indices = @transform_5, window_bounds = array<i64: 1, 64>}, {pipeline_mode = #tpu.pipeline_mode<synchronous>, transform_indices = @transform_6, window_bounds = array<i64: 64, 32>}, {pipeline_mode = #tpu.pipeline_mode<synchronous>, transform_indices = @transform_7, window_bounds = array<i64: 1, 32>}, {pipeline_mode = #tpu.pipeline_mode<synchronous>, transform_indices = @transform_8, window_bounds = array<i64: 32, 1>}, {pipeline_mode = #tpu.pipeline_mode<synchronous>, transform_indices = @transform_9, window_bounds = array<i64: 1, 1>}, {transform_indices = @transform_10, window_bounds = array<i64: 512, 1>}, {transform_indices = @transform_11, window_bounds = array<i64: 512, 64>}]} {
    %get3A = arith.constant 0 : index
    %get3A_0 = arith.constant 0 : index
    %get3A_1 = vector.load %arg1[%get3A, %get3A_0] : memref<512x32xf32, #tpu.memory_space<vmem>>, vector<512x32xf32>
    %get3A_2 = arith.constant 0 : index
    %get3A_3 = arith.constant 0 : index
    %get3A_4 = vector.load %arg3[%get3A_2, %get3A_3] : memref<512x32xf32, #tpu.memory_space<vmem>>, vector<512x32xf32>
    %add3A = arith.addf %get3A_1, %get3A_4 : vector<512x32xf32>
    %get3A_5 = arith.constant 0 : index
    %get3A_6 = arith.constant 0 : index
    %get3A_7 = vector.load %arg2[%get3A_5, %get3A_6] : memref<512x32xf32, #tpu.memory_space<vmem>>, vector<512x32xf32>
    %get3A_8 = arith.constant 0 : index
    %get3A_9 = arith.constant 0 : index
    %get3A_10 = vector.load %arg4[%get3A_8, %get3A_9] : memref<512x32xf32, #tpu.memory_space<vmem>>, vector<512x32xf32>
    %add3A_11 = arith.addf %get3A_7, %get3A_10 : vector<512x32xf32>
    %concatenate3A = tpu.concatenate %add3A, %add3A_11 in 1 : vector<512x32xf32>, vector<512x32xf32> -> vector<512x64xf32>
    %get3A_12 = arith.constant 0 : index
    %get3A_13 = arith.constant 0 : index
    %get3A_14 = vector.load %arg5[%get3A_12, %get3A_13] : memref<512x1xf32, #tpu.memory_space<vmem>>, vector<512x1xf32>
    %mul3A = vector.broadcast %get3A_14 : vector<512x1xf32> to vector<512x64xf32>
    %mul3A_15 = arith.mulf %concatenate3A, %mul3A : vector<512x64xf32>
    %get3A_16 = arith.constant 0 : index
    %get3A_17 = arith.constant 0 : index
    %get3A_18 = vector.load %arg6[%get3A_16, %get3A_17] : memref<1x64xf32, #tpu.memory_space<vmem>>, vector<1x64xf32>
    %add3A_19 = vector.broadcast %get3A_18 : vector<1x64xf32> to vector<512x64xf32>
    %add3A_20 = arith.addf %mul3A_15, %add3A_19 : vector<512x64xf32>
    %max3A = arith.constant 0.000000e+00 : f32
    %max3A_21 = vector.broadcast %max3A : f32 to vector<512x64xf32>
    %max3A_22 = arith.maximumf %add3A_20, %max3A_21 : vector<512x64xf32>
    %swap3A = arith.constant 0 : index
    %swap3A_23 = arith.constant 0 : index
    %swap3A_24 = vector.load %arg12[%swap3A, %swap3A_23] : memref<512x64xf32, #tpu.memory_space<vmem>>, vector<512x64xf32>
    tpu.vector_store %arg12[%swap3A, %swap3A_23], %max3A_22 {strides = array<i32>} : memref<512x64xf32, #tpu.memory_space<vmem>>, vector<512x64xf32>,
    %get3A_25 = arith.constant 0 : index
    %get3A_26 = arith.constant 0 : index
    %get3A_27 = vector.load %arg7[%get3A_25, %get3A_26] : memref<64x32xf32, #tpu.memory_space<vmem>>, vector<64x32xf32>
    %dot_general3A = arith.constant dense<0.000000e+00> : vector<512x32xf32>
    %dot_general3A_28 = tpu.matmul %max3A_22, %get3A_27, %dot_general3A {dimension_numbers = #tpu.dot_dimension_numbers<[1], [0], [0], [1], [0, 0, 1, 1], [], []>, transpose_lhs_hint = false} : vector<512x64xf32>, vector<64x32xf32>, vector<512x32xf32> -> vector<512x32xf32>
    %get3A_29 = arith.constant 0 : index
    %get3A_30 = arith.constant 0 : index
    %get3A_31 = vector.load %arg8[%get3A_29, %get3A_30] : memref<1x32xf32, #tpu.memory_space<vmem>>, vector<1x32xf32>
    %add3A_32 = vector.broadcast %get3A_31 : vector<1x32xf32> to vector<512x32xf32>
    %add3A_33 = arith.addf %dot_general3A_28, %add3A_32 : vector<512x32xf32>
    %max3A_34 = arith.constant 0.000000e+00 : f32
    %max3A_35 = vector.broadcast %max3A_34 : f32 to vector<512x32xf32>
    %max3A_36 = arith.maximumf %add3A_33, %max3A_35 : vector<512x32xf32>
    %get3A_37 = arith.constant 0 : index
    %get3A_38 = arith.constant 0 : index
    %get3A_39 = vector.load %arg9[%get3A_37, %get3A_38] : memref<32x1xf32, #tpu.memory_space<vmem>>, vector<32x1xf32>
    %dot_general3A_40 = arith.constant dense<0.000000e+00> : vector<512x1xf32>
    %dot_general3A_41 = tpu.matmul %max3A_36, %get3A_39, %dot_general3A_40 {dimension_numbers = #tpu.dot_dimension_numbers<[1], [0], [0], [1], [0, 0, 1, 1], [], []>, transpose_lhs_hint = false} : vector<512x32xf32>, vector<32x1xf32>, vector<512x1xf32> -> vector<512x1xf32>
    %get3A_42 = arith.constant 0 : index
    %get3A_43 = arith.constant 0 : index
    %get3A_44 = vector.load %arg10[%get3A_42, %get3A_43] : memref<1x1xf32, #tpu.memory_space<vmem>>, vector<1x1xf32>
    %add3A_45 = vector.broadcast %get3A_44 : vector<1x1xf32> to vector<512x1xf32>
    %add3A_46 = arith.addf %dot_general3A_41, %add3A_45 : vector<512x1xf32>
    %swap3A_47 = arith.constant 0 : index
    %swap3A_48 = arith.constant 0 : index
    %swap3A_49 = vector.load %arg11[%swap3A_47, %swap3A_48] : memref<512x1xf32, #tpu.memory_space<vmem>>, vector<512x1xf32>
    tpu.vector_store %arg11[%swap3A_47, %swap3A_48], %add3A_46 {strides = array<i32>} : memref<512x1xf32, #tpu.memory_space<vmem>>, vector<512x1xf32>,
    return
  }
  func.func @transform_0(%arg0: i32) -> (i32, i32) {
    %c0_i32 = arith.constant 0 : i32
    %c0_i32_0 = arith.constant 0 : i32
    return %arg0, %c0_i32 : i32, i32
  }
  func.func @transform_1(%arg0: i32) -> (i32, i32) {
    %add3A = arith.constant 98 : i32
    %add3A_0 = arith.addi %add3A, %arg0 : i32
    %c0_i32 = arith.constant 0 : i32
    %c0_i32_1 = arith.constant 0 : i32
    return %add3A_0, %c0_i32 : i32, i32
  }
  func.func @transform_2(%arg0: i32) -> (i32, i32) {
    %c0_i32 = arith.constant 0 : i32
    %c0_i32_0 = arith.constant 0 : i32
    return %arg0, %c0_i32 : i32, i32
  }
  func.func @transform_3(%arg0: i32) -> (i32, i32) {
    %add3A = arith.constant 98 : i32
    %add3A_0 = arith.addi %add3A, %arg0 : i32
    %c0_i32 = arith.constant 0 : i32
    %c0_i32_1 = arith.constant 0 : i32
    return %add3A_0, %c0_i32 : i32, i32
  }
  func.func @transform_4(%arg0: i32) -> (i32, i32) {
    %c0_i32 = arith.constant 0 : i32
    %c0_i32_0 = arith.constant 0 : i32
    return %arg0, %c0_i32 : i32, i32
  }
  func.func @transform_5(%arg0: i32) -> (i32, i32) {
    %c0_i32 = arith.constant 0 : i32
    %c0_i32_0 = arith.constant 0 : i32
    %c0_i32_1 = arith.constant 0 : i32
    return %c0_i32, %c0_i32_0 : i32, i32
  }
  func.func @transform_6(%arg0: i32) -> (i32, i32) {
    %c0_i32 = arith.constant 0 : i32
    %c0_i32_0 = arith.constant 0 : i32
    %c0_i32_1 = arith.constant 0 : i32
    return %c0_i32, %c0_i32_0 : i32, i32
  }
  func.func @transform_7(%arg0: i32) -> (i32, i32) {
    %c0_i32 = arith.constant 0 : i32
    %c0_i32_0 = arith.constant 0 : i32
    %c0_i32_1 = arith.constant 0 : i32
    return %c0_i32, %c0_i32_0 : i32, i32
  }
  func.func @transform_8(%arg0: i32) -> (i32, i32) {
    %c0_i32 = arith.constant 0 : i32
    %c0_i32_0 = arith.constant 0 : i32
    %c0_i32_1 = arith.constant 0 : i32
    return %c0_i32, %c0_i32_0 : i32, i32
  }
  func.func @transform_9(%arg0: i32) -> (i32, i32) {
    %c0_i32 = arith.constant 0 : i32
    %c0_i32_0 = arith.constant 0 : i32
    %c0_i32_1 = arith.constant 0 : i32
    return %c0_i32, %c0_i32_0 : i32, i32
  }
  func.func @transform_10(%arg0: i32) -> (i32, i32) {
    %c0_i32 = arith.constant 0 : i32
    %c0_i32_0 = arith.constant 0 : i32
    return %arg0, %c0_i32 : i32, i32
  }
  func.func @transform_11(%arg0: i32) -> (i32, i32) {
    %c0_i32 = arith.constant 0 : i32
    %c0_i32_0 = arith.constant 0 : i32
    return %arg0, %c0_i32 : i32, i32
  }
}

</mosaic_0001>

<sc_bundles>
// kernel: kernel.11.cloned.1.call-start
scs
__scs_entry_jumppad:
0x0: {  	(pc) =	sbr.rel $0x88, $3  }
0x1: {  	(tag) =	ssettag $0x0;
	lr =	simm.s32 $0x1  }
0x2: {  	[smem:$0x3F97] =	sst lr;
	_ =	strace $0xD0000000  }
0x3: {  	_ = 	snop  }
0x4: {  	_ = 	snop  }
0x5: {  	_ = 	snop  }
0x6: {  	_ = 	snop  }
0x7: {  	_ = 	snop  }
__scs_overlays_trampoline_lowered:
0x8: {  	[smem:$0x3FA6] =	sst s0  }
0x9: {  	[smem:$0x3FA7] =	sst s1  }
0xa: {  	[smem:$0x3FA8] =	sst s2  }
0xb: {  	[smem:$0x3FA9] =	sst s3  }
0xc: {  	[smem:$0x3FAA] =	sst s4  }
0xd: {  	[smem:$0x3FAB] =	sst s5  }
0xe: {  	[smem:$0x3FAC] =	sst s6  }
0xf: {  	[smem:$0x3FAD] =	sst s7  }
0x10: {  	[smem:$0x3FAE] =	sst s8  }
0x11: {  	[smem:$0x3FAF] =	sst s9;
	s0 =	simm.s32 @!p0 $0x0  }
0x12: {  	s1 =	sld [smem:$0x3F95];
	s0 =	simm.s32 @p0 $0x1  }
0x13: {  	[smem:$0x3FB0] =	sst s0;
	s0 =	simm.s32 @!p1 $0x0  }
0x14: {  	s2 =	sld [smem:$0x3F94];
	s0 =	simm.s32 @p1 $0x1  }
0x15: {  	[smem:$0x3FB1] =	sst s0;
	s0 =	simm.s32 @!p2 $0x0  }
0x16: {  	s3 =	sld [smem:$0x3FDB];
	s0 =	simm.s32 @p2 $0x1  }
0x17: {  	s4 =	simm.s32 $0x1BF5;
	[smem:$0x3FB3] =	sst s0  }
0x18: {  	s0 =	sld [smem:$0x3F96];
	_ =	swait.ge [sflag:s4], $0x0  }
0x19: {  	s7 =	sld [smem:$0x3F97]  }
0x1a: {  	s8 =	sadd.s32 $0xFFFFE003, lr  }
0x1b: {  	s9 =	sadd.s32 $0xFFFFFEF7, lr;
	s5 =	simm.s32 $0xFFFFFFFF;
	p2 =	slt.u32 s8, $0xFFFFF086  }
0x1c: {  	p1 =	slt.u32 s9, $0xF7A;
	s5 =	simm.s32 @!p2 $0x0  }
0x1d: {  	s5 =	simm.s32 @p1 $0x1;
	p0 =	seq.s32 s7, s2  }
0x1e: {  	s7 =	smul.u32 @!p0 $0xF7A, s2;
	p2 =	seq.s32 @!p0 s5, $0x0  }
0x1f: {  	s9 =	smul.u32 $0xF7A, s1;
	s8 =	simm.s32 @!p0 $0x1BF5;
	p2 =	por !p2, p0  }
0x20: {  	[sflag:s8] =	ssyncset.s32 @!p0 $0xFFFFF086;
	s6 =	sadd.s32 @!p0 s3, s7;
	s7 =	simm.s32 @!p0 $0x108  }
0x21: {  	s3 =	sadd.s32 s3, s9;
	s6 =	sadd.s32 @!p0 $0x88, s6;
	s7 =	simm.s32 @p2 $0x1082  }
0x22: {  	[simem:s7], [sflag:s8] =	dma.local @!p0 [hbm:s6], $0xF7A  }
0x23: {  	s9 =	sor.u32 $0xD0000000, s2;
	s6 =	simm.s32 $0x108;
	_ =	swait.ge @!p0 [sflag:s8], $0x0  }
0x24: {  	s3 =	sadd.s32 $0x88, s3;
	s6 =	simm.s32 @!p1 $0x1082;
	[sflag:s4] =	ssyncset.s32 $0xFFFFF086  }
0x25: {  	[simem:s6], [sflag:s4] =	dma.local [hbm:s3], $0xF7A  }
0x26: {  	[smem:$0x3F97] =	sst s1;
	(tag) =	ssettag s2;
	_ =	strace s9  }
0x27: {  	s1 =	sld [smem:$0x3FA7]  }
0x28: {  	s2 =	sld [smem:$0x3FA8]  }
0x29: {  	s4 =	sld [smem:$0x3FAA]  }
0x2a: {  	p0 =	seq.s32 s5, $0x0;
	s5 =	sld [smem:$0x3FAB]  }
0x2b: {  	s6 =	sld [smem:$0x3FAC]  }
0x2c: {  	s7 =	sld [smem:$0x3FAD]  }
0x2d: {  	s3 =	simm.s32 $0x108;
	s8 =	sld [smem:$0x3FAE]  }
0x2e: {  	s3 =	simm.s32 @!p0 $0x1082;
	s9 =	sld [smem:$0x3FAF]  }
0x2f: {  	lr =	sadd.s32 s0, s3;
	s0 =	sld [smem:$0x3FA6]  }
0x30: {  	s3 =	sld [smem:$0x3FA9]  }
0x31: {  	[smem:$0x3FB2] =	sst s10  }
0x32: {  	s10 =	sld [smem:$0x3FB0];
	_ =	sdelay $0x3  }
0x33: {  	p0 =	seq.s32 s10, $0x1;
	s10 =	sld [smem:$0x3FB2];
	_ =	sdelay $0x3  }
0x34: {  	[smem:$0x3FB2] =	sst s10  }
0x35: {  	s10 =	sld [smem:$0x3FB1];
	_ =	sdelay $0x3  }
0x36: {  	p1 =	seq.s32 s10, $0x1;
	s10 =	sld [smem:$0x3FB2];
	_ =	sdelay $0x3  }
0x37: {  	[smem:$0x3FB2] =	sst s10  }
0x38: {  	s10 =	sld [smem:$0x3FB3]  }
0x39: {  	_ = 	snop;
	(pc) =	sbr.ind lr, $3  }
0x3a: {  	_ = 	snop  }
0x3b: {  	_ = 	snop  }
0x3c: {  	p2 =	seq.s32 s10, $0x1;
	s10 =	sld [smem:$0x3FB2]  }
0x3d: {  	_ =	shalt  }
0x3e: {  	_ =	shalt  }
0x3f: {  	_ =	shalt  }
0x40: {  	_ =	shalt  }
0x41: {  	_ =	shalt  }
0x42: {  	_ =	shalt  }
0x43: {  	_ =	shalt  }
0x44: {  	_ =	shalt  }
0x45: {  	_ =	shalt  }
0x46: {  	_ =	shalt  }
0x47: {  	_ =	shalt  }
0x48: {  	_ =	shalt  }
0x49: {  	_ =	shalt  }
0x4a: {  	_ =	shalt  }
0x4b: {  	_ =	shalt  }
0x4c: {  	_ =	shalt  }
0x4d: {  	_ =	shalt  }
0x4e: {  	_ =	shalt  }
0x4f: {  	_ =	shalt  }
0x50: {  	_ =	shalt  }
0x51: {  	_ =	shalt  }
0x52: {  	_ =	shalt  }
0x53: {  	_ =	shalt  }
0x54: {  	_ =	shalt  }
0x55: {  	_ =	shalt  }
0x56: {  	_ =	shalt  }
0x57: {  	_ =	shalt  }
0x58: {  	_ =	shalt  }
0x59: {  	_ =	shalt  }
0x5a: {  	_ =	shalt  }
0x5b: {  	_ =	shalt  }
0x5c: {  	_ =	shalt  }
0x5d: {  	_ =	shalt  }
0x5e: {  	_ =	shalt  }
0x5f: {  	_ =	shalt  }
0x60: {  	_ =	shalt  }
0x61: {  	_ =	shalt  }
0x62: {  	_ =	shalt  }
0x63: {  	_ =	shalt  }
0x64: {  	_ =	shalt  }
0x65: {  	_ =	shalt  }
0x66: {  	_ =	shalt  }
0x67: {  	_ =	shalt  }
0x68: {  	_ =	shalt  }
0x69: {  	_ =	shalt  }
0x6a: {  	_ =	shalt  }
0x6b: {  	_ =	shalt  }
0x6c: {  	_ =	shalt  }
0x6d: {  	_ =	shalt  }
0x6e: {  	_ =	shalt  }
0x6f: {  	_ =	shalt  }
0x70: {  	_ =	shalt  }
0x71: {  	_ =	shalt  }
0x72: {  	_ =	shalt  }
0x73: {  	_ =	shalt  }
0x74: {  	_ =	shalt  }
0x75: {  	_ =	shalt  }
0x76: {  	_ =	shalt  }
0x77: {  	_ =	shalt  }
0x78: {  	_ =	shalt  }
0x79: {  	_ =	shalt  }
0x7a: {  	_ =	shalt  }
0x7b: {  	_ =	shalt  }
0x7c: {  	_ =	shalt  }
0x7d: {  	_ =	shalt  }
0x7e: {  	_ =	shalt  }
0x7f: {  	_ =	shalt  }
0x80: {  	_ =	shalt  }
0x81: {  	_ =	shalt  }
0x82: {  	_ =	shalt  }
0x83: {  	_ =	shalt  }
0x84: {  	_ =	shalt  }
0x85: {  	_ =	shalt  }
0x86: {  	_ =	shalt  }
0x87: {  	_ =	shalt  }
.Lfunc_end0:
.L_simem_size_0:
called_computation.1_lowered:
.L_overlay_start_0:
0x88: {  	s2 =	sld [smem:$0x3FD9]  }
0x89: {  	s3 =	sld [smem:$0x3FFE];
	_ =	sdelay $0x1  }
0x8a: {  	s1 =	srdreg.scid  }
0x8b: {  	s0 =	sand.u32 $0x1, s1  }
0x8c: {  	s14 =	sshll.u32 s0, $0xA;
	s2 =	sadd.s32 s3, s2  }
0x8d: {  	s2 =	sadd.s32 s2, s14  }
0x8e: {  	[smem:$0x3FBE] =	sst s2  }
0x8f: {  	_ = 	snop  }
0x90: {  	s2 =	sld [smem:$0x3FD0];
	_ =	sdelay $0x2  }
0x91: {  	s15 =	simm.s32 $0xA;
	s4 =	simm.s32 $0x10  }
0x92: {  	[smem:s4], [sflag:s15] =	dma.local [hbm:s2], $0x1  }
0x93: {  	_ =	swait.eq [sflag:s15], $0x1  }
0x94: {  	[sflag:s15] =	ssyncset.done $0x0  }
0x95: {  	[sflag:s15] =	ssyncadd.s32 $0xFFFFFFFF  }
0x96: {  	s16 =	sld [smem:$0x11];
	(tm) =	ssettm $0x1  }
0x97: {  	s17 =	sld [smem:$0x3FFB];
	_ =	sdelay $0x3  }
0x98: {  	_ =	strace s17  }
0x99: {  	s3 =	sld [smem:$0x3FFC];
	_ =	sdelay $0x3  }
0x9a: {  	_ =	strace s3  }
0x9b: {  	s3 =	sld [smem:$0x3FFD];
	_ =	sdelay $0x3  }
0x9c: {  	_ =	strace s3  }
0x9d: {  	_ =	strace $0x8FFFFFFF  }
0x9e: {  	s18 =	sld [smem:$0x3FDB];
	_ =	sdelay $0x1  }
0x9f: {  	s19 =	simm.s32 $_scs_section_size  }
0xa0: {  	s5 =	simm.s32 $_size__tile_overlayer_lowered;
	s6 =	simm.s32 $_tile_overlayer_lowered  }
0xa1: {  	s22 =	simm.s32 $0x1BFF;
	s21 =	sshll.u32 s6, $0x1;
	s3 =	sadd.s32 s19, s18  }
0xa2: {  	s7 =	simm.s32 $0x0;
	s20 =	sshll.u32 s5, $0x1;
	s5 =	sadd.s32 s21, s3  }
0xa3: {  	[timem:s7], [sflag:s22] =	dma.local [hbm:s5], s20  }
0xa4: {  	_ =	swait.ge [sflag:s22], s20  }
0xa5: {  	s4 =	ssub.s32 $0x0, s20;
	[sflag:s22] =	ssyncset.done $0x0  }
0xa6: {  	[sflag:s22] =	ssyncadd.s32 s4;
	_ =	sdelay $0x1  }
0xa7: {  	s23 =	simm.s32 $0x1B8B  }
0xa8: {  	_ =	swait.ge [sflag:s23], $0x1  }
0xa9: {  	[sflag:s23] =	ssyncset.done $0x0  }
0xaa: {  	s25 =	simm.s32 $0x1B8E;
	s24 =	sld [smem:$0x3FFE];
	[sflag:s23] =	ssyncadd.s32 $0xFFFFFFFF  }
0xab: {  	s26 =	simm.s32 $execute0_lowered;
	[smem:$0x3FD2] =	sst s25  }
0xac: {  	s5 =	sshll.u32 s26, $0x1;
	_ =	strace $0x80000049;
	[dreg:$0x1] =	wrdreg $0xFFFFFFFF  }
0xad: {  	s28 =	simm.s32 $_size_execute0_lowered;
	s3 =	sadd.s32 s3, s5;
	[dreg:$0x0] =	wrdreg $0x0  }
0xae: {  	s5 =	sshll.u32 s28, $0x1;
	[dreg:$0x2] =	wrdreg s3  }
0xaf: {  	[dreg:$0x3] =	wrdreg s5  }
0xb0: {  	[dreg:$0x4] =	wrdreg $0xC0  }
0xb1: {  	_ =	task [dreg:s7], $0x5FFFF  }
0xb2: {  	[dreg:$0x1] =	wrdreg $0xFFFFFFFF  }
0xb3: {  	[dreg:$0x0] =	wrdreg $0x60  }
0xb4: {  	[dreg:$0x2] =	wrdreg s24  }
0xb5: {  	[dreg:$0x3] =	wrdreg s16  }
0xb6: {  	[dreg:$0x4] =	wrdreg $0x35200  }
0xb7: {  	[dreg:$0x5] =	wrdreg $0x9  }
0xb8: {  	_ =	task.clear_ibuf [dreg:s7], $0x6FFFF;
	_ =	strace $0x90000049  }
0xb9: {  	s29 =	simm.s32 $0x9;
	_ =	strace $0x8000004B  }
0xba: {  	_ =	swait.ge [sflag:s29], $0x1  }
0xbb: {  	[sflag:s29] =	ssyncadd.s32 $0xFFFFFFFF  }
0xbc: {  	_ =	strace $0x9000004B  }
0xbd: {  	_ =	sfence  }
0xbe: {  	s30 =	sld [smem:$0x0];
	_ =	sdelay $0x2  }
0xbf: {  	s31 =	sshll.u32 s1, $0xD;
	s1 =	sshrl.u32 s1, $0x2  }
0xc0: {  	s3 =	sand.u32 $0x4000, s31;
	s1 =	sadd.s32 s1, s30  }
0xc1: {  	s0 =	sor.u32 s3, s0;
	s1 =	sshll.u32 s1, $0x11  }
0xc2: {  	s0 =	sor.u32 s1, s0  }
0xc3: {  	s0 =	sadd.s32 $0x8F2B, s0  }
0xc4: {  	[sflag:s0] =	ssyncadd.remote.s32 $0x1  }
0xc5: {  	_ =	sfence.sel $0xFFFF  }
0xc6: {  	[dreg:$0x0] =	wrdreg $0xFFFFFFFF;
	(pc) =	sbr.abs _section_cstart, $3  }
0xc7: {  	[dreg:$0x1] =	wrdreg $0xFFFFFFFF  }
0xc8: {  	_ =	task.clear_ibuf [dreg:s7], $0x2FFFF;
	_ =	strace $0x9FFFFFFF  }
0xc9: {  	(tm) =	ssettm $0x7FFFFFFF  }
tec
execute0_lowered:
.L_overlay_start_1:
0x0: {  	(tag) =	ssettag $0x1  }
0x1: {  	s5 =	rddreg [dreg:$0x0]  }
0x2: {  	s23 =	rddreg [dreg:$0x1]  }
0x3: {  	s2 =	rddreg [dreg:$0x2]  }
0x4: {  	s0 =	stileid.u32;
	s4 =	srdreg.scid;
	s3 =	simm.s32 $0x0  }
0x5: {  	s28 =	simm.s32 $0x1;
	s29 =	simm.s32 $0x0;
	s7 =	smul.u32 $0xC40, s0  }
0x6: {  	s6 =	sand.u32 $0x1, s4;
	[smem:$0x7FF] =	sst s3;
	s9 =	smul.u32 $0x186A, s0  }
0x7: {  	s4 =	sadd.s32 $0x1A200, s5;
	s10 =	smul.u32 $0x62000, s0;
	s24 =	ssub.s32 $0x2, s6  }
0x8: {  	s8 =	smul.u32 $0xC400, s6;
	_ =	strace $0x8000004A;
	s25 =	sshrl.u32 s24, $0x1  }
0x9: {  	s22 =	sadd.s32 s9, s5;
	s26 =	ssub.s32 s24, s25;
	s24 =	smul.u32 $0xC350, s0  }
0xa: {  	s30 =	sshrl.u32 s10, $0x2;
	s7 =	sadd.s32 s8, s7;
	s25 =	smul.u32 $0xC3500, s6  }
0xb: {  	s22 =	sadd.s32 $0x1A00, s22;
	s7 =	sshll.u32 s7, $0x2;
	s31 =	smax.u32 s26, $0x1  }
0xc: {  	s26 =	simm.s32 $0x190;
	s21 =	sadd.s32 s7, s5;
	s5 =	sadd.s32 s30, s2  }
0xd: {  	[dreg:$0x4] =	wrdreg s31;
	s24 =	sadd.s32 s24, s25;
	s25 =	simm.s32 $0x2  }
0xe: {  	s7 =	sadd.s32 $0x3100, s5;
	s8 =	sadd.s32 $0x6200, s5;
	s9 =	sadd.s32 $0x9300, s5  }
0xf: {  	s10 =	sadd.s32 $0xC400, s5;
	s11 =	sadd.s32 $0xF500, s5;
	s12 =	sadd.s32 $0x12600, s5  }
0x10: {  	s13 =	sadd.s32 $0x15700, s5;
	s14 =	sadd.s32 $0x7C200, s21;
	s15 =	sadd.s32 $0x7C820, s21  }
0x11: {  	s16 =	sadd.s32 $0x7CE40, s21;
	s17 =	sadd.s32 $0x7D460, s21;
	s18 =	sadd.s32 $0x7DA80, s21  }
0x12: {  	s19 =	sadd.s32 $0x7E0A0, s21;
	s20 =	sadd.s32 $0x7E6C0, s21;
	s24 =	sshrl.u32 s24, $0x3  }
0x13: {  	v0 =	vimm.f32 $0.0e+00;
	s21 =	sadd.s32 $0x7ECE0, s21;
	s23 =	sadd.s32 s24, s23;
	s24 =	simm.s32 $0x320  }
.LBB2_1:
0x14: {  	s30 =	simm.s32 $0x80;
	s31 =	simm.s32 $0x0  }
.LBB2_2:
0x15: {  	p0 =	sne.s32 s30, $0xC780;
	[tilespmem:s31+$0x320] =	vst v0;
	s0 =	smov.u32 s30;
	s30 =	sadd.s32 $0x80, s30  }
.Ltmp0:
0x16: {  	[tilespmem:s31+$0x330] =	vst v0;
	(pc) =	sbr.rel @p0 .LBB2_2-.Ltmp0, $2  }
0x17: {  	_ =	sdelay $0x2  }
0x18: {  	s31 =	sshra.s32 s0, $0x2  }
0x19: {  	[tilespmem:s31+$0x320] =	vst v0  }
0x1a: {  	[tilespmem:s31+$0x330] =	vst v0  }
0x1b: {  	[spmem:s5] =	stream.linear.scatter [tilespmem:s24], [sflag:$0x2], $0x3100, $0x38;
	[tilespmem:$0x1BD20] =	vst v63  }
0x1c: {  	_ =	swait.ge [sflag:s25], $0x3100  }
0x1d: {  	[sflag:s25] =	ssyncset.done $0x0  }
0x1e: {  	[sflag:s25] =	ssyncadd.s32 $0xFFFFCF00  }
0x1f: {  	[spmem:s7] =	stream.linear.scatter [tilespmem:s24], [sflag:$0x2], $0x3100, $0x38;
	[tilespmem:$0x1BD20] =	vst v63  }
0x20: {  	_ =	swait.ge [sflag:s25], $0x3100  }
0x21: {  	[sflag:s25] =	ssyncset.done $0x0  }
0x22: {  	[sflag:s25] =	ssyncadd.s32 $0xFFFFCF00  }
0x23: {  	[spmem:s8] =	stream.linear.scatter [tilespmem:s24], [sflag:$0x2], $0x3100, $0x38;
	[tilespmem:$0x1BD20] =	vst v63  }
0x24: {  	_ =	swait.ge [sflag:s25], $0x3100  }
0x25: {  	[sflag:s25] =	ssyncset.done $0x0  }
0x26: {  	[sflag:s25] =	ssyncadd.s32 $0xFFFFCF00  }
0x27: {  	[spmem:s9] =	stream.linear.scatter [tilespmem:s24], [sflag:$0x2], $0x3100, $0x38;
	[tilespmem:$0x1BD20] =	vst v63  }
0x28: {  	_ =	swait.ge [sflag:s25], $0x3100  }
0x29: {  	[sflag:s25] =	ssyncset.done $0x0  }
0x2a: {  	[sflag:s25] =	ssyncadd.s32 $0xFFFFCF00  }
0x2b: {  	[spmem:s10] =	stream.linear.scatter [tilespmem:s24], [sflag:$0x2], $0x3100, $0x38;
	[tilespmem:$0x1BD20] =	vst v63  }
0x2c: {  	_ =	swait.ge [sflag:s25], $0x3100  }
0x2d: {  	[sflag:s25] =	ssyncset.done $0x0  }
0x2e: {  	[sflag:s25] =	ssyncadd.s32 $0xFFFFCF00  }
0x2f: {  	[spmem:s11] =	stream.linear.scatter [tilespmem:s24], [sflag:$0x2], $0x3100, $0x38;
	[tilespmem:$0x1BD20] =	vst v63  }
0x30: {  	_ =	swait.ge [sflag:s25], $0x3100  }
0x31: {  	[sflag:s25] =	ssyncset.done $0x0  }
0x32: {  	[sflag:s25] =	ssyncadd.s32 $0xFFFFCF00  }
0x33: {  	[spmem:s12] =	stream.linear.scatter [tilespmem:s24], [sflag:$0x2], $0x3100, $0x38;
	[tilespmem:$0x1BD20] =	vst v63  }
0x34: {  	_ =	swait.ge [sflag:s25], $0x3100  }
0x35: {  	[sflag:s25] =	ssyncset.done $0x0  }
0x36: {  	[sflag:s25] =	ssyncadd.s32 $0xFFFFCF00  }
0x37: {  	[spmem:s13] =	stream.linear.scatter [tilespmem:s24], [sflag:$0x2], $0x3100, $0x38;
	[tilespmem:$0x1BD20] =	vst v63  }
0x38: {  	_ =	swait.ge [sflag:s25], $0x3100  }
0x39: {  	[sflag:s25] =	ssyncset.done $0x0  }
0x3a: {  	[sflag:s25] =	ssyncadd.s32 $0xFFFFCF00  }
0x3b: {  	s0 =	sadd.s32 $0x0, s23;
	[bflag:$0x0] =	sbarrier.arrive $0xFFFF  }
0x3c: {  	[tilespmem:s3], [sflag:$0x2] =	stream.linear.gather [hbm4b:s0+s3], $0x190, $0x38;
	[tilespmem:$0x1BD20] =	vst v63  }
0x3d: {  	_ =	swait.ge [sflag:s25], $0x190  }
0x3e: {  	[sflag:s25] =	ssyncset.done $0x0  }
0x3f: {  	s6 =	sadd.s32 $0x0, s22;
	[sflag:s25] =	ssyncadd.s32 $0xFFFFFE70  }
0x40: {  	[tilespmem:s26], [sflag:$0x2] =	stream.linear.gather [hbm4b:s6+s3], $0x190, $0x38;
	[tilespmem:$0x1BD20] =	vst v63  }
0x41: {  	_ =	swait.ge [sflag:s25], $0x190  }
0x42: {  	[sflag:s25] =	ssyncset.done $0x0  }
0x43: {  	[sflag:s25] =	ssyncadd.s32 $0xFFFFFE70  }
0x44: {  	[tilespmem:s24], [sflag:$0x1] =	stream.indirect.gather [hbm4b:s4+s26], $0x20, s3, s26, $0xb8;
	[tilespmem:$0x1BD20] =	vst v63  }
0x45: {  	_ =	swait.ge [sflag:s28], $0x3200  }
0x46: {  	[sflag:s28] =	ssyncset.done $0x0  }
0x47: {  	[sflag:s28] =	ssyncadd.s32 $0xFFFFCE00  }
0x48: {  	[spmem:s2] =	stream.indirect.scatter.add.f32 [tilespmem:s24], [sflag:$0x2], $0x20, s26, s26, $0xb8;
	[tilespmem:$0x1BD20] =	vst v63  }
0x49: {  	_ =	swait.ge [sflag:s25], $0x3200  }
0x4a: {  	s30 =	simm.s32 $0x32;
	s31 =	simm.s32 $0x64;
	[sflag:s25] =	ssyncset.done $0x0  }
.LBB2_4:
0x4b: {  	s0 =	sadd.s32 s30, s23  }
0x4c: {  	[sflag:s25] =	ssyncadd.s32 $0xFFFFCE00;
	s1 =	smov.u32 s31;
	s6 =	sadd.s32 $0x32, s31  }
0x4d: {  	[tilespmem:s3], [sflag:$0x2] =	stream.linear.gather [hbm4b:s0+s3], $0x190, $0x38;
	[tilespmem:$0x1BD20] =	vst v63  }
0x4e: {  	p0 =	sne.s32 s31, $0x1838;
	_ =	swait.ge [sflag:s25], $0x190  }
0x4f: {  	[sflag:s25] =	ssyncset.done $0x0  }
0x50: {  	s0 =	sadd.s32 s30, s22;
	s30 =	smov.u32 s1;
	[sflag:s25] =	ssyncadd.s32 $0xFFFFFE70  }
0x51: {  	[tilespmem:s26], [sflag:$0x2] =	stream.linear.gather [hbm4b:s0+s3], $0x190, $0x38;
	[tilespmem:$0x1BD20] =	vst v63  }
0x52: {  	_ =	swait.ge [sflag:s25], $0x190  }
0x53: {  	[sflag:s25] =	ssyncset.done $0x0  }
0x54: {  	[sflag:s25] =	ssyncadd.s32 $0xFFFFFE70  }
0x55: {  	[tilespmem:s24], [sflag:$0x1] =	stream.indirect.gather [hbm4b:s4+s26], $0x20, s3, s26, $0xb8;
	[tilespmem:$0x1BD20] =	vst v63  }
0x56: {  	_ =	swait.ge [sflag:s28], $0x3200  }
.Ltmp1:
0x57: {  	[sflag:s28] =	ssyncset.done $0x0;
	(pc) =	sbr.rel @p0 .LBB2_4-.Ltmp1, $4  }
0x58: {  	[sflag:s28] =	ssyncadd.s32 $0xFFFFCE00  }
0x59: {  	[spmem:s2] =	stream.indirect.scatter.add.f32 [tilespmem:s24], [sflag:$0x2], $0x20, s26, s26, $0xb8;
	[tilespmem:$0x1BD20] =	vst v63  }
0x5a: {  	_ =	swait.ge [sflag:s25], $0x3200  }
0x5b: {  	s31 =	smov.u32 s6;
	[sflag:s25] =	ssyncset.done $0x0  }
0x5c: {  	s0 =	sadd.s32 s30, s23;
	[sflag:s25] =	ssyncadd.s32 $0xFFFFCE00  }
0x5d: {  	[tilespmem:s3], [sflag:$0x2] =	stream.linear.gather [hbm4b:s0+s3], $0x190, $0x38;
	[tilespmem:$0x1BD20] =	vst v63  }
0x5e: {  	_ =	swait.ge [sflag:s25], $0x190  }
0x5f: {  	[sflag:s25] =	ssyncset.done $0x0  }
0x60: {  	s30 =	sadd.s32 s30, s22;
	[sflag:s25] =	ssyncadd.s32 $0xFFFFFE70  }
0x61: {  	[tilespmem:s26], [sflag:$0x2] =	stream.linear.gather [hbm4b:s30+s3], $0x190, $0x38;
	[tilespmem:$0x1BD20] =	vst v63  }
0x62: {  	_ =	swait.ge [sflag:s25], $0x190  }
0x63: {  	[sflag:s25] =	ssyncset.done $0x0  }
0x64: {  	[sflag:s25] =	ssyncadd.s32 $0xFFFFFE70  }
0x65: {  	[tilespmem:s24], [sflag:$0x1] =	stream.indirect.gather [hbm4b:s4+s26], $0x20, s3, s26, $0xb8;
	[tilespmem:$0x1BD20] =	vst v63  }
0x66: {  	_ =	swait.ge [sflag:s28], $0x3200  }
0x67: {  	[sflag:s28] =	ssyncset.done $0x0  }
0x68: {  	[sflag:s28] =	ssyncadd.s32 $0xFFFFCE00  }
0x69: {  	[spmem:s2] =	stream.indirect.scatter.add.f32 [tilespmem:s24], [sflag:$0x2], $0x20, s26, s26, $0xb8;
	[tilespmem:$0x1BD20] =	vst v63  }
0x6a: {  	_ =	swait.ge [sflag:s25], $0x3200  }
0x6b: {  	[sflag:s25] =	ssyncset.done $0x0  }
0x6c: {  	[sflag:s25] =	ssyncadd.s32 $0xFFFFCE00  }
0x6d: {  	[bflag:$0x0] =	sbarrier.arrive $0xFFFF  }
0x6e: {  	[tilespmem:s24], [sflag:$0x2] =	stream.linear.gather [spmem:s5], $0x3100, $0x38;
	[tilespmem:$0x1BD20] =	vst v63  }
0x6f: {  	_ =	swait.ge [sflag:s25], $0x3100  }
0x70: {  	[sflag:s25] =	ssyncset.done $0x0  }
0x71: {  	[sflag:s25] =	ssyncadd.s32 $0xFFFFCF00  }
0x72: {  	[hbm4b:s14+s3] =	stream.linear.scatter [tilespmem:s24], [sflag:$0x2], $0x3100, $0x38;
	[tilespmem:$0x1BD20] =	vst v63  }
0x73: {  	_ =	swait.ge [sflag:s25], $0x3100  }
0x74: {  	[sflag:s25] =	ssyncset.done $0x0  }
0x75: {  	[sflag:s25] =	ssyncadd.s32 $0xFFFFCF00  }
0x76: {  	[tilespmem:s24], [sflag:$0x2] =	stream.linear.gather [spmem:s7], $0x3100, $0x38;
	[tilespmem:$0x1BD20] =	vst v63  }
0x77: {  	_ =	swait.ge [sflag:s25], $0x3100  }
0x78: {  	[sflag:s25] =	ssyncset.done $0x0  }
0x79: {  	[sflag:s25] =	ssyncadd.s32 $0xFFFFCF00  }
0x7a: {  	[hbm4b:s15+s3] =	stream.linear.scatter [tilespmem:s24], [sflag:$0x2], $0x3100, $0x38;
	[tilespmem:$0x1BD20] =	vst v63  }
0x7b: {  	_ =	swait.ge [sflag:s25], $0x3100  }
0x7c: {  	[sflag:s25] =	ssyncset.done $0x0  }
0x7d: {  	[sflag:s25] =	ssyncadd.s32 $0xFFFFCF00  }
0x7e: {  	[tilespmem:s24], [sflag:$0x2] =	stream.linear.gather [spmem:s8], $0x3100, $0x38;
	[tilespmem:$0x1BD20] =	vst v63  }
0x7f: {  	_ =	swait.ge [sflag:s25], $0x3100  }
0x80: {  	[sflag:s25] =	ssyncset.done $0x0  }
0x81: {  	[sflag:s25] =	ssyncadd.s32 $0xFFFFCF00  }
0x82: {  	[hbm4b:s16+s3] =	stream.linear.scatter [tilespmem:s24], [sflag:$0x2], $0x3100, $0x38;
	[tilespmem:$0x1BD20] =	vst v63  }
0x83: {  	_ =	swait.ge [sflag:s25], $0x3100  }
0x84: {  	[sflag:s25] =	ssyncset.done $0x0  }
0x85: {  	[sflag:s25] =	ssyncadd.s32 $0xFFFFCF00  }
0x86: {  	[tilespmem:s24], [sflag:$0x2] =	stream.linear.gather [spmem:s9], $0x3100, $0x38;
	[tilespmem:$0x1BD20] =	vst v63  }
0x87: {  	_ =	swait.ge [sflag:s25], $0x3100  }
0x88: {  	[sflag:s25] =	ssyncset.done $0x0  }
0x89: {  	[sflag:s25] =	ssyncadd.s32 $0xFFFFCF00  }
0x8a: {  	[hbm4b:s17+s3] =	stream.linear.scatter [tilespmem:s24], [sflag:$0x2], $0x3100, $0x38;
	[tilespmem:$0x1BD20] =	vst v63  }
0x8b: {  	_ =	swait.ge [sflag:s25], $0x3100  }
0x8c: {  	[sflag:s25] =	ssyncset.done $0x0  }
0x8d: {  	[sflag:s25] =	ssyncadd.s32 $0xFFFFCF00  }
0x8e: {  	[tilespmem:s24], [sflag:$0x2] =	stream.linear.gather [spmem:s10], $0x3100, $0x38;
	[tilespmem:$0x1BD20] =	vst v63  }
0x8f: {  	_ =	swait.ge [sflag:s25], $0x3100  }
0x90: {  	[sflag:s25] =	ssyncset.done $0x0  }
0x91: {  	[sflag:s25] =	ssyncadd.s32 $0xFFFFCF00  }
0x92: {  	[hbm4b:s18+s3] =	stream.linear.scatter [tilespmem:s24], [sflag:$0x2], $0x3100, $0x38;
	[tilespmem:$0x1BD20] =	vst v63  }
0x93: {  	_ =	swait.ge [sflag:s25], $0x3100  }
0x94: {  	[sflag:s25] =	ssyncset.done $0x0  }
0x95: {  	[sflag:s25] =	ssyncadd.s32 $0xFFFFCF00  }
0x96: {  	[tilespmem:s24], [sflag:$0x2] =	stream.linear.gather [spmem:s11], $0x3100, $0x38;
	[tilespmem:$0x1BD20] =	vst v63  }
0x97: {  	_ =	swait.ge [sflag:s25], $0x3100  }
0x98: {  	[sflag:s25] =	ssyncset.done $0x0  }
0x99: {  	[sflag:s25] =	ssyncadd.s32 $0xFFFFCF00  }
0x9a: {  	[hbm4b:s19+s3] =	stream.linear.scatter [tilespmem:s24], [sflag:$0x2], $0x3100, $0x38;
	[tilespmem:$0x1BD20] =	vst v63  }
0x9b: {  	_ =	swait.ge [sflag:s25], $0x3100  }
0x9c: {  	[sflag:s25] =	ssyncset.done $0x0  }
0x9d: {  	[sflag:s25] =	ssyncadd.s32 $0xFFFFCF00  }
0x9e: {  	[tilespmem:s24], [sflag:$0x2] =	stream.linear.gather [spmem:s12], $0x3100, $0x38;
	[tilespmem:$0x1BD20] =	vst v63  }
0x9f: {  	_ =	swait.ge [sflag:s25], $0x3100  }
0xa0: {  	[sflag:s25] =	ssyncset.done $0x0  }
0xa1: {  	[sflag:s25] =	ssyncadd.s32 $0xFFFFCF00  }
0xa2: {  	[hbm4b:s20+s3] =	stream.linear.scatter [tilespmem:s24], [sflag:$0x2], $0x3100, $0x38;
	[tilespmem:$0x1BD20] =	vst v63  }
0xa3: {  	_ =	swait.ge [sflag:s25], $0x3100  }
0xa4: {  	[sflag:s25] =	ssyncset.done $0x0  }
0xa5: {  	[sflag:s25] =	ssyncadd.s32 $0xFFFFCF00  }
0xa6: {  	[tilespmem:s24], [sflag:$0x2] =	stream.linear.gather [spmem:s13], $0x3100, $0x38;
	[tilespmem:$0x1BD20] =	vst v63  }
0xa7: {  	_ =	swait.ge [sflag:s25], $0x3100  }
0xa8: {  	[sflag:s25] =	ssyncset.done $0x0  }
0xa9: {  	[sflag:s25] =	ssyncadd.s32 $0xFFFFCF00  }
0xaa: {  	[hbm4b:s21+s3] =	stream.linear.scatter [tilespmem:s24], [sflag:$0x2], $0x3100, $0x38;
	[tilespmem:$0x1BD20] =	vst v63  }
0xab: {  	_ =	swait.ge [sflag:s25], $0x3100  }
0xac: {  	s29 =	sadd.s32 $0x1, s29;
	s31 =	rddreg [dreg:$0x4]  }
0xad: {  	p0 =	sne.s32 s29, s31  }
.Ltmp2:
0xae: {  	_ = 	snop;
	(pc) =	sbr.rel @p0 .LBB2_1-.Ltmp2, $3  }
0xaf: {  	_ =	sdelay $0x1  }
0xb0: {  	[sflag:s25] =	ssyncset.done $0x0  }
0xb1: {  	[sflag:s25] =	ssyncadd.s32 $0xFFFFCF00  }
0xb2: {  	_ =	sfence.sel $0x180000  }
0xb3: {  	[bflag:$0x0] =	sbarrier.arrive $0xFFFF  }
0xb4: {  	_ =	strace $0x9000004A  }
0xb5: {  	s0 =	stileid.u32;
	[bflag:$0x2] =	sbarrier.arrive $0xFFFF  }
0xb6: {  	p0 =	sne.s32 s0, $0x0;
	s0 =	rddreg [dreg:$0x3]  }
0xb7: {  	s0 =	sadd.s32 @!p0 $0x100000, s0  }
0xb8: {  	[sflag:s0] =	ssyncadd.tile.s32 @!p0 $0x1;
	_ =	shalt  }
.Lfunc_end2:
_tile_overlayer_lowered:
.L_overlay_start_2:
0xb9: {  	(tag) =	ssettag $0x2  }
0xba: {  	s0 =	rddreg [dreg:$0x0];
	s2 =	stileid.u32  }
0xbb: {  	s1 =	rddreg [dreg:$0x1];
	p0 =	sne.s32 s2, $0x0  }
0xbc: {  	s3 =	rddreg [dreg:$0x2];
	[bflag:$0x3] =	sbarrier.arrive $0xFFFF;
	s2 =	simm.s32 @!p0 $0x1C02  }
0xbd: {  	[timem:s3], [sflag:s2] =	dma.local @!p0 [hbm:s0], s1  }
0xbe: {  	s0 =	simm.s32 @!p0 $0x2  }
0xbf: {  	_ =	swait.ge @!p0 [sflag:s0], s1  }
0xc0: {  	s1 =	ssub.s32 @!p0 $0x0, s1;
	[sflag:s0] =	ssyncset.done @!p0 $0x0  }
0xc1: {  	[sflag:s0] =	ssyncadd.s32 @!p0 s1  }
0xc2: {  	[bflag:$0x3] =	sbarrier.arrive $0xFFFF  }
0xc3: {  	_ =	shalt  }

// kernel: kernel.14.cloned.1.call-start
scs
__scs_entry_jumppad:
0x0: {  	(pc) =	sbr.rel $0x88, $3  }
0x1: {  	(tag) =	ssettag $0x0;
	lr =	simm.s32 $0x1  }
0x2: {  	[smem:$0x3F97] =	sst lr;
	_ =	strace $0xD0000000  }
0x3: {  	_ = 	snop  }
0x4: {  	_ = 	snop  }
0x5: {  	_ = 	snop  }
0x6: {  	_ = 	snop  }
0x7: {  	_ = 	snop  }
__scs_overlays_trampoline_lowered:
0x8: {  	[smem:$0x3FA6] =	sst s0  }
0x9: {  	[smem:$0x3FA7] =	sst s1  }
0xa: {  	[smem:$0x3FA8] =	sst s2  }
0xb: {  	[smem:$0x3FA9] =	sst s3  }
0xc: {  	[smem:$0x3FAA] =	sst s4  }
0xd: {  	[smem:$0x3FAB] =	sst s5  }
0xe: {  	[smem:$0x3FAC] =	sst s6  }
0xf: {  	[smem:$0x3FAD] =	sst s7  }
0x10: {  	[smem:$0x3FAE] =	sst s8  }
0x11: {  	[smem:$0x3FAF] =	sst s9;
	s0 =	simm.s32 @!p0 $0x0  }
0x12: {  	s1 =	sld [smem:$0x3F95];
	s0 =	simm.s32 @p0 $0x1  }
0x13: {  	[smem:$0x3FB0] =	sst s0;
	s0 =	simm.s32 @!p1 $0x0  }
0x14: {  	s2 =	sld [smem:$0x3F94];
	s0 =	simm.s32 @p1 $0x1  }
0x15: {  	[smem:$0x3FB1] =	sst s0;
	s0 =	simm.s32 @!p2 $0x0  }
0x16: {  	s3 =	sld [smem:$0x3FDB];
	s0 =	simm.s32 @p2 $0x1  }
0x17: {  	s4 =	simm.s32 $0x1BF5;
	[smem:$0x3FB3] =	sst s0  }
0x18: {  	s0 =	sld [smem:$0x3F96];
	_ =	swait.ge [sflag:s4], $0x0  }
0x19: {  	s7 =	sld [smem:$0x3F97]  }
0x1a: {  	s8 =	sadd.s32 $0xFFFFE003, lr  }
0x1b: {  	s9 =	sadd.s32 $0xFFFFFEF7, lr;
	s5 =	simm.s32 $0xFFFFFFFF;
	p2 =	slt.u32 s8, $0xFFFFF086  }
0x1c: {  	p1 =	slt.u32 s9, $0xF7A;
	s5 =	simm.s32 @!p2 $0x0  }
0x1d: {  	s5 =	simm.s32 @p1 $0x1;
	p0 =	seq.s32 s7, s2  }
0x1e: {  	s7 =	smul.u32 @!p0 $0xF7A, s2;
	p2 =	seq.s32 @!p0 s5, $0x0  }
0x1f: {  	s9 =	smul.u32 $0xF7A, s1;
	s8 =	simm.s32 @!p0 $0x1BF5;
	p2 =	por !p2, p0  }
0x20: {  	[sflag:s8] =	ssyncset.s32 @!p0 $0xFFFFF086;
	s6 =	sadd.s32 @!p0 s3, s7;
	s7 =	simm.s32 @!p0 $0x108  }
0x21: {  	s3 =	sadd.s32 s3, s9;
	s6 =	sadd.s32 @!p0 $0x88, s6;
	s7 =	simm.s32 @p2 $0x1082  }
0x22: {  	[simem:s7], [sflag:s8] =	dma.local @!p0 [hbm:s6], $0xF7A  }
0x23: {  	s9 =	sor.u32 $0xD0000000, s2;
	s6 =	simm.s32 $0x108;
	_ =	swait.ge @!p0 [sflag:s8], $0x0  }
0x24: {  	s3 =	sadd.s32 $0x88, s3;
	s6 =	simm.s32 @!p1 $0x1082;
	[sflag:s4] =	ssyncset.s32 $0xFFFFF086  }
0x25: {  	[simem:s6], [sflag:s4] =	dma.local [hbm:s3], $0xF7A  }
0x26: {  	[smem:$0x3F97] =	sst s1;
	(tag) =	ssettag s2;
	_ =	strace s9  }
0x27: {  	s1 =	sld [smem:$0x3FA7]  }
0x28: {  	s2 =	sld [smem:$0x3FA8]  }
0x29: {  	s4 =	sld [smem:$0x3FAA]  }
0x2a: {  	p0 =	seq.s32 s5, $0x0;
	s5 =	sld [smem:$0x3FAB]  }
0x2b: {  	s6 =	sld [smem:$0x3FAC]  }
0x2c: {  	s7 =	sld [smem:$0x3FAD]  }
0x2d: {  	s3 =	simm.s32 $0x108;
	s8 =	sld [smem:$0x3FAE]  }
0x2e: {  	s3 =	simm.s32 @!p0 $0x1082;
	s9 =	sld [smem:$0x3FAF]  }
0x2f: {  	lr =	sadd.s32 s0, s3;
	s0 =	sld [smem:$0x3FA6]  }
0x30: {  	s3 =	sld [smem:$0x3FA9]  }
0x31: {  	[smem:$0x3FB2] =	sst s10  }
0x32: {  	s10 =	sld [smem:$0x3FB0];
	_ =	sdelay $0x3  }
0x33: {  	p0 =	seq.s32 s10, $0x1;
	s10 =	sld [smem:$0x3FB2];
	_ =	sdelay $0x3  }
0x34: {  	[smem:$0x3FB2] =	sst s10  }
0x35: {  	s10 =	sld [smem:$0x3FB1];
	_ =	sdelay $0x3  }
0x36: {  	p1 =	seq.s32 s10, $0x1;
	s10 =	sld [smem:$0x3FB2];
	_ =	sdelay $0x3  }
0x37: {  	[smem:$0x3FB2] =	sst s10  }
0x38: {  	s10 =	sld [smem:$0x3FB3]  }
0x39: {  	_ = 	snop;
	(pc) =	sbr.ind lr, $3  }
0x3a: {  	_ = 	snop  }
0x3b: {  	_ = 	snop  }
0x3c: {  	p2 =	seq.s32 s10, $0x1;
	s10 =	sld [smem:$0x3FB2]  }
0x3d: {  	_ =	shalt  }
0x3e: {  	_ =	shalt  }
0x3f: {  	_ =	shalt  }
0x40: {  	_ =	shalt  }
0x41: {  	_ =	shalt  }
0x42: {  	_ =	shalt  }
0x43: {  	_ =	shalt  }
0x44: {  	_ =	shalt  }
0x45: {  	_ =	shalt  }
0x46: {  	_ =	shalt  }
0x47: {  	_ =	shalt  }
0x48: {  	_ =	shalt  }
0x49: {  	_ =	shalt  }
0x4a: {  	_ =	shalt  }
0x4b: {  	_ =	shalt  }
0x4c: {  	_ =	shalt  }
0x4d: {  	_ =	shalt  }
0x4e: {  	_ =	shalt  }
0x4f: {  	_ =	shalt  }
0x50: {  	_ =	shalt  }
0x51: {  	_ =	shalt  }
0x52: {  	_ =	shalt  }
0x53: {  	_ =	shalt  }
0x54: {  	_ =	shalt  }
0x55: {  	_ =	shalt  }
0x56: {  	_ =	shalt  }
0x57: {  	_ =	shalt  }
0x58: {  	_ =	shalt  }
0x59: {  	_ =	shalt  }
0x5a: {  	_ =	shalt  }
0x5b: {  	_ =	shalt  }
0x5c: {  	_ =	shalt  }
0x5d: {  	_ =	shalt  }
0x5e: {  	_ =	shalt  }
0x5f: {  	_ =	shalt  }
0x60: {  	_ =	shalt  }
0x61: {  	_ =	shalt  }
0x62: {  	_ =	shalt  }
0x63: {  	_ =	shalt  }
0x64: {  	_ =	shalt  }
0x65: {  	_ =	shalt  }
0x66: {  	_ =	shalt  }
0x67: {  	_ =	shalt  }
0x68: {  	_ =	shalt  }
0x69: {  	_ =	shalt  }
0x6a: {  	_ =	shalt  }
0x6b: {  	_ =	shalt  }
0x6c: {  	_ =	shalt  }
0x6d: {  	_ =	shalt  }
0x6e: {  	_ =	shalt  }
0x6f: {  	_ =	shalt  }
0x70: {  	_ =	shalt  }
0x71: {  	_ =	shalt  }
0x72: {  	_ =	shalt  }
0x73: {  	_ =	shalt  }
0x74: {  	_ =	shalt  }
0x75: {  	_ =	shalt  }
0x76: {  	_ =	shalt  }
0x77: {  	_ =	shalt  }
0x78: {  	_ =	shalt  }
0x79: {  	_ =	shalt  }
0x7a: {  	_ =	shalt  }
0x7b: {  	_ =	shalt  }
0x7c: {  	_ =	shalt  }
0x7d: {  	_ =	shalt  }
0x7e: {  	_ =	shalt  }
0x7f: {  	_ =	shalt  }
0x80: {  	_ =	shalt  }
0x81: {  	_ =	shalt  }
0x82: {  	_ =	shalt  }
0x83: {  	_ =	shalt  }
0x84: {  	_ =	shalt  }
0x85: {  	_ =	shalt  }
0x86: {  	_ =	shalt  }
0x87: {  	_ =	shalt  }
.Lfunc_end0:
.L_simem_size_0:
called_computation.2_lowered:
.L_overlay_start_0:
0x88: {  	s2 =	sld [smem:$0x3FD9]  }
0x89: {  	s3 =	sld [smem:$0x3FFE];
	_ =	sdelay $0x1  }
0x8a: {  	s1 =	srdreg.scid  }
0x8b: {  	s0 =	sand.u32 $0x1, s1  }
0x8c: {  	s14 =	sshll.u32 s0, $0xA;
	s2 =	sadd.s32 s3, s2  }
0x8d: {  	s2 =	sadd.s32 s2, s14  }
0x8e: {  	[smem:$0x3FBE] =	sst s2  }
0x8f: {  	_ = 	snop  }
0x90: {  	s2 =	sld [smem:$0x3FD0];
	_ =	sdelay $0x2  }
0x91: {  	s15 =	simm.s32 $0xA;
	s4 =	simm.s32 $0x10  }
0x92: {  	[smem:s4], [sflag:s15] =	dma.local [hbm:s2], $0x1  }
0x93: {  	_ =	swait.eq [sflag:s15], $0x1  }
0x94: {  	[sflag:s15] =	ssyncset.done $0x0  }
0x95: {  	[sflag:s15] =	ssyncadd.s32 $0xFFFFFFFF  }
0x96: {  	s16 =	sld [smem:$0x11];
	(tm) =	ssettm $0x1  }
0x97: {  	s17 =	sld [smem:$0x3FFB];
	_ =	sdelay $0x3  }
0x98: {  	_ =	strace s17  }
0x99: {  	s3 =	sld [smem:$0x3FFC];
	_ =	sdelay $0x3  }
0x9a: {  	_ =	strace s3  }
0x9b: {  	s3 =	sld [smem:$0x3FFD];
	_ =	sdelay $0x3  }
0x9c: {  	_ =	strace s3  }
0x9d: {  	_ =	strace $0x8FFFFFFF  }
0x9e: {  	s18 =	sld [smem:$0x3FDB];
	_ =	sdelay $0x1  }
0x9f: {  	s19 =	simm.s32 $_scs_section_size  }
0xa0: {  	s5 =	simm.s32 $_size__tile_overlayer_lowered;
	s6 =	simm.s32 $_tile_overlayer_lowered  }
0xa1: {  	s22 =	simm.s32 $0x1BFF;
	s21 =	sshll.u32 s6, $0x1;
	s3 =	sadd.s32 s19, s18  }
0xa2: {  	s7 =	simm.s32 $0x0;
	s20 =	sshll.u32 s5, $0x1;
	s5 =	sadd.s32 s21, s3  }
0xa3: {  	[timem:s7], [sflag:s22] =	dma.local [hbm:s5], s20  }
0xa4: {  	_ =	swait.ge [sflag:s22], s20  }
0xa5: {  	s4 =	ssub.s32 $0x0, s20;
	[sflag:s22] =	ssyncset.done $0x0  }
0xa6: {  	[sflag:s22] =	ssyncadd.s32 s4;
	_ =	sdelay $0x1  }
0xa7: {  	s23 =	simm.s32 $0x1B8B  }
0xa8: {  	_ =	swait.ge [sflag:s23], $0x1  }
0xa9: {  	[sflag:s23] =	ssyncset.done $0x0  }
0xaa: {  	s25 =	simm.s32 $0x1B8E;
	s24 =	sld [smem:$0x3FFE];
	[sflag:s23] =	ssyncadd.s32 $0xFFFFFFFF  }
0xab: {  	s26 =	simm.s32 $execute0_lowered;
	[smem:$0x3FD2] =	sst s25  }
0xac: {  	s5 =	sshll.u32 s26, $0x1;
	_ =	strace $0x8000004C;
	[dreg:$0x1] =	wrdreg $0xFFFFFFFF  }
0xad: {  	s28 =	simm.s32 $_size_execute0_lowered;
	s3 =	sadd.s32 s3, s5;
	[dreg:$0x0] =	wrdreg $0x0  }
0xae: {  	s5 =	sshll.u32 s28, $0x1;
	[dreg:$0x2] =	wrdreg s3  }
0xaf: {  	[dreg:$0x3] =	wrdreg s5  }
0xb0: {  	[dreg:$0x4] =	wrdreg $0xC0  }
0xb1: {  	_ =	task [dreg:s7], $0x5FFFF  }
0xb2: {  	[dreg:$0x1] =	wrdreg $0xFFFFFFFF  }
0xb3: {  	[dreg:$0x0] =	wrdreg $0x60  }
0xb4: {  	[dreg:$0x2] =	wrdreg s24  }
0xb5: {  	[dreg:$0x3] =	wrdreg s16  }
0xb6: {  	[dreg:$0x4] =	wrdreg $0x35200  }
0xb7: {  	[dreg:$0x5] =	wrdreg $0x9  }
0xb8: {  	_ =	task.clear_ibuf [dreg:s7], $0x6FFFF;
	_ =	strace $0x9000004C  }
0xb9: {  	s29 =	simm.s32 $0x9;
	_ =	strace $0x8000004E  }
0xba: {  	_ =	swait.ge [sflag:s29], $0x1  }
0xbb: {  	[sflag:s29] =	ssyncadd.s32 $0xFFFFFFFF  }
0xbc: {  	_ =	strace $0x9000004E  }
0xbd: {  	_ =	sfence  }
0xbe: {  	s30 =	sld [smem:$0x0];
	_ =	sdelay $0x2  }
0xbf: {  	s31 =	sshll.u32 s1, $0xD;
	s1 =	sshrl.u32 s1, $0x2  }
0xc0: {  	s3 =	sand.u32 $0x4000, s31;
	s1 =	sadd.s32 s1, s30  }
0xc1: {  	s0 =	sor.u32 s3, s0;
	s1 =	sshll.u32 s1, $0x11  }
0xc2: {  	s0 =	sor.u32 s1, s0  }
0xc3: {  	s0 =	sadd.s32 $0x8F2B, s0  }
0xc4: {  	[sflag:s0] =	ssyncadd.remote.s32 $0x1  }
0xc5: {  	_ =	sfence.sel $0xFFFF  }
0xc6: {  	[dreg:$0x0] =	wrdreg $0xFFFFFFFF;
	(pc) =	sbr.abs _section_cstart, $3  }
0xc7: {  	[dreg:$0x1] =	wrdreg $0xFFFFFFFF  }
0xc8: {  	_ =	task.clear_ibuf [dreg:s7], $0x2FFFF;
	_ =	strace $0x9FFFFFFF  }
0xc9: {  	(tm) =	ssettm $0x7FFFFFFF  }
tec
execute0_lowered:
.L_overlay_start_1:
0x0: {  	(tag) =	ssettag $0x1  }
0x1: {  	s5 =	rddreg [dreg:$0x0]  }
0x2: {  	s23 =	rddreg [dreg:$0x1]  }
0x3: {  	s2 =	rddreg [dreg:$0x2]  }
0x4: {  	s0 =	stileid.u32;
	s4 =	srdreg.scid;
	s3 =	simm.s32 $0x0  }
0x5: {  	s28 =	simm.s32 $0x1;
	s29 =	simm.s32 $0x0;
	s7 =	smul.u32 $0xC40, s0  }
0x6: {  	s6 =	sand.u32 $0x1, s4;
	[smem:$0x7FF] =	sst s3;
	s9 =	smul.u32 $0x186A, s0  }
0x7: {  	s4 =	sadd.s32 $0x1A200, s5;
	s10 =	smul.u32 $0x62000, s0;
	s24 =	ssub.s32 $0x2, s6  }
0x8: {  	s8 =	smul.u32 $0xC400, s6;
	_ =	strace $0x8000004D;
	s25 =	sshrl.u32 s24, $0x1  }
0x9: {  	s22 =	sadd.s32 s9, s5;
	s26 =	ssub.s32 s24, s25;
	s24 =	smul.u32 $0xC350, s0  }
0xa: {  	s30 =	sshrl.u32 s10, $0x2;
	s7 =	sadd.s32 s8, s7;
	s25 =	smul.u32 $0xC3500, s6  }
0xb: {  	s22 =	sadd.s32 $0x1A00, s22;
	s7 =	sshll.u32 s7, $0x2;
	s31 =	smax.u32 s26, $0x1  }
0xc: {  	s26 =	simm.s32 $0x190;
	s21 =	sadd.s32 s7, s5;
	s5 =	sadd.s32 s30, s2  }
0xd: {  	[dreg:$0x4] =	wrdreg s31;
	s24 =	sadd.s32 s24, s25;
	s25 =	simm.s32 $0x2  }
0xe: {  	s7 =	sadd.s32 $0x3100, s5;
	s8 =	sadd.s32 $0x6200, s5;
	s9 =	sadd.s32 $0x9300, s5  }
0xf: {  	s10 =	sadd.s32 $0xC400, s5;
	s11 =	sadd.s32 $0xF500, s5;
	s12 =	sadd.s32 $0x12600, s5  }
0x10: {  	s13 =	sadd.s32 $0x15700, s5;
	s14 =	sadd.s32 $0x7C200, s21;
	s15 =	sadd.s32 $0x7C820, s21  }
0x11: {  	s16 =	sadd.s32 $0x7CE40, s21;
	s17 =	sadd.s32 $0x7D460, s21;
	s18 =	sadd.s32 $0x7DA80, s21  }
0x12: {  	s19 =	sadd.s32 $0x7E0A0, s21;
	s20 =	sadd.s32 $0x7E6C0, s21;
	s24 =	sshrl.u32 s24, $0x3  }
0x13: {  	v0 =	vimm.f32 $0.0e+00;
	s21 =	sadd.s32 $0x7ECE0, s21;
	s23 =	sadd.s32 s24, s23;
	s24 =	simm.s32 $0x320  }
.LBB2_1:
0x14: {  	s30 =	simm.s32 $0x80;
	s31 =	simm.s32 $0x0  }
.LBB2_2:
0x15: {  	p0 =	sne.s32 s30, $0xC780;
	[tilespmem:s31+$0x320] =	vst v0;
	s0 =	smov.u32 s30;
	s30 =	sadd.s32 $0x80, s30  }
.Ltmp0:
0x16: {  	[tilespmem:s31+$0x330] =	vst v0;
	(pc) =	sbr.rel @p0 .LBB2_2-.Ltmp0, $2  }
0x17: {  	_ =	sdelay $0x2  }
0x18: {  	s31 =	sshra.s32 s0, $0x2  }
0x19: {  	[tilespmem:s31+$0x320] =	vst v0  }
0x1a: {  	[tilespmem:s31+$0x330] =	vst v0  }
0x1b: {  	[spmem:s5] =	stream.linear.scatter [tilespmem:s24], [sflag:$0x2], $0x3100, $0x38;
	[tilespmem:$0x1BD20] =	vst v63  }
0x1c: {  	_ =	swait.ge [sflag:s25], $0x3100  }
0x1d: {  	[sflag:s25] =	ssyncset.done $0x0  }
0x1e: {  	[sflag:s25] =	ssyncadd.s32 $0xFFFFCF00  }
0x1f: {  	[spmem:s7] =	stream.linear.scatter [tilespmem:s24], [sflag:$0x2], $0x3100, $0x38;
	[tilespmem:$0x1BD20] =	vst v63  }
0x20: {  	_ =	swait.ge [sflag:s25], $0x3100  }
0x21: {  	[sflag:s25] =	ssyncset.done $0x0  }
0x22: {  	[sflag:s25] =	ssyncadd.s32 $0xFFFFCF00  }
0x23: {  	[spmem:s8] =	stream.linear.scatter [tilespmem:s24], [sflag:$0x2], $0x3100, $0x38;
	[tilespmem:$0x1BD20] =	vst v63  }
0x24: {  	_ =	swait.ge [sflag:s25], $0x3100  }
0x25: {  	[sflag:s25] =	ssyncset.done $0x0  }
0x26: {  	[sflag:s25] =	ssyncadd.s32 $0xFFFFCF00  }
0x27: {  	[spmem:s9] =	stream.linear.scatter [tilespmem:s24], [sflag:$0x2], $0x3100, $0x38;
	[tilespmem:$0x1BD20] =	vst v63  }
0x28: {  	_ =	swait.ge [sflag:s25], $0x3100  }
0x29: {  	[sflag:s25] =	ssyncset.done $0x0  }
0x2a: {  	[sflag:s25] =	ssyncadd.s32 $0xFFFFCF00  }
0x2b: {  	[spmem:s10] =	stream.linear.scatter [tilespmem:s24], [sflag:$0x2], $0x3100, $0x38;
	[tilespmem:$0x1BD20] =	vst v63  }
0x2c: {  	_ =	swait.ge [sflag:s25], $0x3100  }
0x2d: {  	[sflag:s25] =	ssyncset.done $0x0  }
0x2e: {  	[sflag:s25] =	ssyncadd.s32 $0xFFFFCF00  }
0x2f: {  	[spmem:s11] =	stream.linear.scatter [tilespmem:s24], [sflag:$0x2], $0x3100, $0x38;
	[tilespmem:$0x1BD20] =	vst v63  }
0x30: {  	_ =	swait.ge [sflag:s25], $0x3100  }
0x31: {  	[sflag:s25] =	ssyncset.done $0x0  }
0x32: {  	[sflag:s25] =	ssyncadd.s32 $0xFFFFCF00  }
0x33: {  	[spmem:s12] =	stream.linear.scatter [tilespmem:s24], [sflag:$0x2], $0x3100, $0x38;
	[tilespmem:$0x1BD20] =	vst v63  }
0x34: {  	_ =	swait.ge [sflag:s25], $0x3100  }
0x35: {  	[sflag:s25] =	ssyncset.done $0x0  }
0x36: {  	[sflag:s25] =	ssyncadd.s32 $0xFFFFCF00  }
0x37: {  	[spmem:s13] =	stream.linear.scatter [tilespmem:s24], [sflag:$0x2], $0x3100, $0x38;
	[tilespmem:$0x1BD20] =	vst v63  }
0x38: {  	_ =	swait.ge [sflag:s25], $0x3100  }
0x39: {  	[sflag:s25] =	ssyncset.done $0x0  }
0x3a: {  	[sflag:s25] =	ssyncadd.s32 $0xFFFFCF00  }
0x3b: {  	s0 =	sadd.s32 $0x0, s23;
	[bflag:$0x0] =	sbarrier.arrive $0xFFFF  }
0x3c: {  	[tilespmem:s3], [sflag:$0x2] =	stream.linear.gather [hbm4b:s0+s3], $0x190, $0x38;
	[tilespmem:$0x1BD20] =	vst v63  }
0x3d: {  	_ =	swait.ge [sflag:s25], $0x190  }
0x3e: {  	[sflag:s25] =	ssyncset.done $0x0  }
0x3f: {  	s6 =	sadd.s32 $0x0, s22;
	[sflag:s25] =	ssyncadd.s32 $0xFFFFFE70  }
0x40: {  	[tilespmem:s26], [sflag:$0x2] =	stream.linear.gather [hbm4b:s6+s3], $0x190, $0x38;
	[tilespmem:$0x1BD20] =	vst v63  }
0x41: {  	_ =	swait.ge [sflag:s25], $0x190  }
0x42: {  	[sflag:s25] =	ssyncset.done $0x0  }
0x43: {  	[sflag:s25] =	ssyncadd.s32 $0xFFFFFE70  }
0x44: {  	[tilespmem:s24], [sflag:$0x1] =	stream.indirect.gather [hbm4b:s4+s26], $0x20, s3, s26, $0xb8;
	[tilespmem:$0x1BD20] =	vst v63  }
0x45: {  	_ =	swait.ge [sflag:s28], $0x3200  }
0x46: {  	[sflag:s28] =	ssyncset.done $0x0  }
0x47: {  	[sflag:s28] =	ssyncadd.s32 $0xFFFFCE00  }
0x48: {  	[spmem:s2] =	stream.indirect.scatter.add.f32 [tilespmem:s24], [sflag:$0x2], $0x20, s26, s26, $0xb8;
	[tilespmem:$0x1BD20] =	vst v63  }
0x49: {  	_ =	swait.ge [sflag:s25], $0x3200  }
0x4a: {  	s30 =	simm.s32 $0x32;
	s31 =	simm.s32 $0x64;
	[sflag:s25] =	ssyncset.done $0x0  }
.LBB2_4:
0x4b: {  	s0 =	sadd.s32 s30, s23  }
0x4c: {  	[sflag:s25] =	ssyncadd.s32 $0xFFFFCE00;
	s1 =	smov.u32 s31;
	s6 =	sadd.s32 $0x32, s31  }
0x4d: {  	[tilespmem:s3], [sflag:$0x2] =	stream.linear.gather [hbm4b:s0+s3], $0x190, $0x38;
	[tilespmem:$0x1BD20] =	vst v63  }
0x4e: {  	p0 =	sne.s32 s31, $0x1838;
	_ =	swait.ge [sflag:s25], $0x190  }
0x4f: {  	[sflag:s25] =	ssyncset.done $0x0  }
0x50: {  	s0 =	sadd.s32 s30, s22;
	s30 =	smov.u32 s1;
	[sflag:s25] =	ssyncadd.s32 $0xFFFFFE70  }
0x51: {  	[tilespmem:s26], [sflag:$0x2] =	stream.linear.gather [hbm4b:s0+s3], $0x190, $0x38;
	[tilespmem:$0x1BD20] =	vst v63  }
0x52: {  	_ =	swait.ge [sflag:s25], $0x190  }
0x53: {  	[sflag:s25] =	ssyncset.done $0x0  }
0x54: {  	[sflag:s25] =	ssyncadd.s32 $0xFFFFFE70  }
0x55: {  	[tilespmem:s24], [sflag:$0x1] =	stream.indirect.gather [hbm4b:s4+s26], $0x20, s3, s26, $0xb8;
	[tilespmem:$0x1BD20] =	vst v63  }
0x56: {  	_ =	swait.ge [sflag:s28], $0x3200  }
.Ltmp1:
0x57: {  	[sflag:s28] =	ssyncset.done $0x0;
	(pc) =	sbr.rel @p0 .LBB2_4-.Ltmp1, $4  }
0x58: {  	[sflag:s28] =	ssyncadd.s32 $0xFFFFCE00  }
0x59: {  	[spmem:s2] =	stream.indirect.scatter.add.f32 [tilespmem:s24], [sflag:$0x2], $0x20, s26, s26, $0xb8;
	[tilespmem:$0x1BD20] =	vst v63  }
0x5a: {  	_ =	swait.ge [sflag:s25], $0x3200  }
0x5b: {  	s31 =	smov.u32 s6;
	[sflag:s25] =	ssyncset.done $0x0  }
0x5c: {  	s0 =	sadd.s32 s30, s23;
	[sflag:s25] =	ssyncadd.s32 $0xFFFFCE00  }
0x5d: {  	[tilespmem:s3], [sflag:$0x2] =	stream.linear.gather [hbm4b:s0+s3], $0x190, $0x38;
	[tilespmem:$0x1BD20] =	vst v63  }
0x5e: {  	_ =	swait.ge [sflag:s25], $0x190  }
0x5f: {  	[sflag:s25] =	ssyncset.done $0x0  }
0x60: {  	s30 =	sadd.s32 s30, s22;
	[sflag:s25] =	ssyncadd.s32 $0xFFFFFE70  }
0x61: {  	[tilespmem:s26], [sflag:$0x2] =	stream.linear.gather [hbm4b:s30+s3], $0x190, $0x38;
	[tilespmem:$0x1BD20] =	vst v63  }
0x62: {  	_ =	swait.ge [sflag:s25], $0x190  }
0x63: {  	[sflag:s25] =	ssyncset.done $0x0  }
0x64: {  	[sflag:s25] =	ssyncadd.s32 $0xFFFFFE70  }
0x65: {  	[tilespmem:s24], [sflag:$0x1] =	stream.indirect.gather [hbm4b:s4+s26], $0x20, s3, s26, $0xb8;
	[tilespmem:$0x1BD20] =	vst v63  }
0x66: {  	_ =	swait.ge [sflag:s28], $0x3200  }
0x67: {  	[sflag:s28] =	ssyncset.done $0x0  }
0x68: {  	[sflag:s28] =	ssyncadd.s32 $0xFFFFCE00  }
0x69: {  	[spmem:s2] =	stream.indirect.scatter.add.f32 [tilespmem:s24], [sflag:$0x2], $0x20, s26, s26, $0xb8;
	[tilespmem:$0x1BD20] =	vst v63  }
0x6a: {  	_ =	swait.ge [sflag:s25], $0x3200  }
0x6b: {  	[sflag:s25] =	ssyncset.done $0x0  }
0x6c: {  	[sflag:s25] =	ssyncadd.s32 $0xFFFFCE00  }
0x6d: {  	[bflag:$0x0] =	sbarrier.arrive $0xFFFF  }
0x6e: {  	[tilespmem:s24], [sflag:$0x2] =	stream.linear.gather [spmem:s5], $0x3100, $0x38;
	[tilespmem:$0x1BD20] =	vst v63  }
0x6f: {  	_ =	swait.ge [sflag:s25], $0x3100  }
0x70: {  	[sflag:s25] =	ssyncset.done $0x0  }
0x71: {  	[sflag:s25] =	ssyncadd.s32 $0xFFFFCF00  }
0x72: {  	[hbm4b:s14+s3] =	stream.linear.scatter [tilespmem:s24], [sflag:$0x2], $0x3100, $0x38;
	[tilespmem:$0x1BD20] =	vst v63  }
0x73: {  	_ =	swait.ge [sflag:s25], $0x3100  }
0x74: {  	[sflag:s25] =	ssyncset.done $0x0  }
0x75: {  	[sflag:s25] =	ssyncadd.s32 $0xFFFFCF00  }
0x76: {  	[tilespmem:s24], [sflag:$0x2] =	stream.linear.gather [spmem:s7], $0x3100, $0x38;
	[tilespmem:$0x1BD20] =	vst v63  }
0x77: {  	_ =	swait.ge [sflag:s25], $0x3100  }
0x78: {  	[sflag:s25] =	ssyncset.done $0x0  }
0x79: {  	[sflag:s25] =	ssyncadd.s32 $0xFFFFCF00  }
0x7a: {  	[hbm4b:s15+s3] =	stream.linear.scatter [tilespmem:s24], [sflag:$0x2], $0x3100, $0x38;
	[tilespmem:$0x1BD20] =	vst v63  }
0x7b: {  	_ =	swait.ge [sflag:s25], $0x3100  }
0x7c: {  	[sflag:s25] =	ssyncset.done $0x0  }
0x7d: {  	[sflag:s25] =	ssyncadd.s32 $0xFFFFCF00  }
0x7e: {  	[tilespmem:s24], [sflag:$0x2] =	stream.linear.gather [spmem:s8], $0x3100, $0x38;
	[tilespmem:$0x1BD20] =	vst v63  }
0x7f: {  	_ =	swait.ge [sflag:s25], $0x3100  }
0x80: {  	[sflag:s25] =	ssyncset.done $0x0  }
0x81: {  	[sflag:s25] =	ssyncadd.s32 $0xFFFFCF00  }
0x82: {  	[hbm4b:s16+s3] =	stream.linear.scatter [tilespmem:s24], [sflag:$0x2], $0x3100, $0x38;
	[tilespmem:$0x1BD20] =	vst v63  }
0x83: {  	_ =	swait.ge [sflag:s25], $0x3100  }
0x84: {  	[sflag:s25] =	ssyncset.done $0x0  }
0x85: {  	[sflag:s25] =	ssyncadd.s32 $0xFFFFCF00  }
0x86: {  	[tilespmem:s24], [sflag:$0x2] =	stream.linear.gather [spmem:s9], $0x3100, $0x38;
	[tilespmem:$0x1BD20] =	vst v63  }
0x87: {  	_ =	swait.ge [sflag:s25], $0x3100  }
0x88: {  	[sflag:s25] =	ssyncset.done $0x0  }
0x89: {  	[sflag:s25] =	ssyncadd.s32 $0xFFFFCF00  }
0x8a: {  	[hbm4b:s17+s3] =	stream.linear.scatter [tilespmem:s24], [sflag:$0x2], $0x3100, $0x38;
	[tilespmem:$0x1BD20] =	vst v63  }
0x8b: {  	_ =	swait.ge [sflag:s25], $0x3100  }
0x8c: {  	[sflag:s25] =	ssyncset.done $0x0  }
0x8d: {  	[sflag:s25] =	ssyncadd.s32 $0xFFFFCF00  }
0x8e: {  	[tilespmem:s24], [sflag:$0x2] =	stream.linear.gather [spmem:s10], $0x3100, $0x38;
	[tilespmem:$0x1BD20] =	vst v63  }
0x8f: {  	_ =	swait.ge [sflag:s25], $0x3100  }
0x90: {  	[sflag:s25] =	ssyncset.done $0x0  }
0x91: {  	[sflag:s25] =	ssyncadd.s32 $0xFFFFCF00  }
0x92: {  	[hbm4b:s18+s3] =	stream.linear.scatter [tilespmem:s24], [sflag:$0x2], $0x3100, $0x38;
	[tilespmem:$0x1BD20] =	vst v63  }
0x93: {  	_ =	swait.ge [sflag:s25], $0x3100  }
0x94: {  	[sflag:s25] =	ssyncset.done $0x0  }
0x95: {  	[sflag:s25] =	ssyncadd.s32 $0xFFFFCF00  }
0x96: {  	[tilespmem:s24], [sflag:$0x2] =	stream.linear.gather [spmem:s11], $0x3100, $0x38;
	[tilespmem:$0x1BD20] =	vst v63  }
0x97: {  	_ =	swait.ge [sflag:s25], $0x3100  }
0x98: {  	[sflag:s25] =	ssyncset.done $0x0  }
0x99: {  	[sflag:s25] =	ssyncadd.s32 $0xFFFFCF00  }
0x9a: {  	[hbm4b:s19+s3] =	stream.linear.scatter [tilespmem:s24], [sflag:$0x2], $0x3100, $0x38;
	[tilespmem:$0x1BD20] =	vst v63  }
0x9b: {  	_ =	swait.ge [sflag:s25], $0x3100  }
0x9c: {  	[sflag:s25] =	ssyncset.done $0x0  }
0x9d: {  	[sflag:s25] =	ssyncadd.s32 $0xFFFFCF00  }
0x9e: {  	[tilespmem:s24], [sflag:$0x2] =	stream.linear.gather [spmem:s12], $0x3100, $0x38;
	[tilespmem:$0x1BD20] =	vst v63  }
0x9f: {  	_ =	swait.ge [sflag:s25], $0x3100  }
0xa0: {  	[sflag:s25] =	ssyncset.done $0x0  }
0xa1: {  	[sflag:s25] =	ssyncadd.s32 $0xFFFFCF00  }
0xa2: {  	[hbm4b:s20+s3] =	stream.linear.scatter [tilespmem:s24], [sflag:$0x2], $0x3100, $0x38;
	[tilespmem:$0x1BD20] =	vst v63  }
0xa3: {  	_ =	swait.ge [sflag:s25], $0x3100  }
0xa4: {  	[sflag:s25] =	ssyncset.done $0x0  }
0xa5: {  	[sflag:s25] =	ssyncadd.s32 $0xFFFFCF00  }
0xa6: {  	[tilespmem:s24], [sflag:$0x2] =	stream.linear.gather [spmem:s13], $0x3100, $0x38;
	[tilespmem:$0x1BD20] =	vst v63  }
0xa7: {  	_ =	swait.ge [sflag:s25], $0x3100  }
0xa8: {  	[sflag:s25] =	ssyncset.done $0x0  }
0xa9: {  	[sflag:s25] =	ssyncadd.s32 $0xFFFFCF00  }
0xaa: {  	[hbm4b:s21+s3] =	stream.linear.scatter [tilespmem:s24], [sflag:$0x2], $0x3100, $0x38;
	[tilespmem:$0x1BD20] =	vst v63  }
0xab: {  	_ =	swait.ge [sflag:s25], $0x3100  }
0xac: {  	s29 =	sadd.s32 $0x1, s29;
	s31 =	rddreg [dreg:$0x4]  }
0xad: {  	p0 =	sne.s32 s29, s31  }
.Ltmp2:
0xae: {  	_ = 	snop;
	(pc) =	sbr.rel @p0 .LBB2_1-.Ltmp2, $3  }
0xaf: {  	_ =	sdelay $0x1  }
0xb0: {  	[sflag:s25] =	ssyncset.done $0x0  }
0xb1: {  	[sflag:s25] =	ssyncadd.s32 $0xFFFFCF00  }
0xb2: {  	_ =	sfence.sel $0x180000  }
0xb3: {  	[bflag:$0x0] =	sbarrier.arrive $0xFFFF  }
0xb4: {  	_ =	strace $0x9000004D  }
0xb5: {  	s0 =	stileid.u32;
	[bflag:$0x2] =	sbarrier.arrive $0xFFFF  }
0xb6: {  	p0 =	sne.s32 s0, $0x0;
	s0 =	rddreg [dreg:$0x3]  }
0xb7: {  	s0 =	sadd.s32 @!p0 $0x100000, s0  }
0xb8: {  	[sflag:s0] =	ssyncadd.tile.s32 @!p0 $0x1;
	_ =	shalt  }
.Lfunc_end2:
_tile_overlayer_lowered:
.L_overlay_start_2:
0xb9: {  	(tag) =	ssettag $0x2  }
0xba: {  	s0 =	rddreg [dreg:$0x0];
	s2 =	stileid.u32  }
0xbb: {  	s1 =	rddreg [dreg:$0x1];
	p0 =	sne.s32 s2, $0x0  }
0xbc: {  	s3 =	rddreg [dreg:$0x2];
	[bflag:$0x3] =	sbarrier.arrive $0xFFFF;
	s2 =	simm.s32 @!p0 $0x1C02  }
0xbd: {  	[timem:s3], [sflag:s2] =	dma.local @!p0 [hbm:s0], s1  }
0xbe: {  	s0 =	simm.s32 @!p0 $0x2  }
0xbf: {  	_ =	swait.ge @!p0 [sflag:s0], s1  }
0xc0: {  	s1 =	ssub.s32 @!p0 $0x0, s1;
	[sflag:s0] =	ssyncset.done @!p0 $0x0  }
0xc1: {  	[sflag:s0] =	ssyncadd.s32 @!p0 s1  }
0xc2: {  	[bflag:$0x3] =	sbarrier.arrive $0xFFFF  }
0xc3: {  	_ =	shalt  }

// kernel: kernel.8.cloned.1.call-start
scs
__scs_entry_jumppad:
0x0: {  	(pc) =	sbr.rel $0x88, $3  }
0x1: {  	(tag) =	ssettag $0x0;
	lr =	simm.s32 $0x1  }
0x2: {  	[smem:$0x3F97] =	sst lr;
	_ =	strace $0xD0000000  }
0x3: {  	_ = 	snop  }
0x4: {  	_ = 	snop  }
0x5: {  	_ = 	snop  }
0x6: {  	_ = 	snop  }
0x7: {  	_ = 	snop  }
__scs_overlays_trampoline_lowered:
0x8: {  	[smem:$0x3FA6] =	sst s0  }
0x9: {  	[smem:$0x3FA7] =	sst s1  }
0xa: {  	[smem:$0x3FA8] =	sst s2  }
0xb: {  	[smem:$0x3FA9] =	sst s3  }
0xc: {  	[smem:$0x3FAA] =	sst s4  }
0xd: {  	[smem:$0x3FAB] =	sst s5  }
0xe: {  	[smem:$0x3FAC] =	sst s6  }
0xf: {  	[smem:$0x3FAD] =	sst s7  }
0x10: {  	[smem:$0x3FAE] =	sst s8  }
0x11: {  	[smem:$0x3FAF] =	sst s9;
	s0 =	simm.s32 @!p0 $0x0  }
0x12: {  	s1 =	sld [smem:$0x3F95];
	s0 =	simm.s32 @p0 $0x1  }
0x13: {  	[smem:$0x3FB0] =	sst s0;
	s0 =	simm.s32 @!p1 $0x0  }
0x14: {  	s2 =	sld [smem:$0x3F94];
	s0 =	simm.s32 @p1 $0x1  }
0x15: {  	[smem:$0x3FB1] =	sst s0;
	s0 =	simm.s32 @!p2 $0x0  }
0x16: {  	s3 =	sld [smem:$0x3FDB];
	s0 =	simm.s32 @p2 $0x1  }
0x17: {  	s4 =	simm.s32 $0x1BF5;
	[smem:$0x3FB3] =	sst s0  }
0x18: {  	s0 =	sld [smem:$0x3F96];
	_ =	swait.ge [sflag:s4], $0x0  }
0x19: {  	s7 =	sld [smem:$0x3F97]  }
0x1a: {  	s8 =	sadd.s32 $0xFFFFE003, lr  }
0x1b: {  	s9 =	sadd.s32 $0xFFFFFEF7, lr;
	s5 =	simm.s32 $0xFFFFFFFF;
	p2 =	slt.u32 s8, $0xFFFFF086  }
0x1c: {  	p1 =	slt.u32 s9, $0xF7A;
	s5 =	simm.s32 @!p2 $0x0  }
0x1d: {  	s5 =	simm.s32 @p1 $0x1;
	p0 =	seq.s32 s7, s2  }
0x1e: {  	s7 =	smul.u32 @!p0 $0xF7A, s2;
	p2 =	seq.s32 @!p0 s5, $0x0  }
0x1f: {  	s9 =	smul.u32 $0xF7A, s1;
	s8 =	simm.s32 @!p0 $0x1BF5;
	p2 =	por !p2, p0  }
0x20: {  	[sflag:s8] =	ssyncset.s32 @!p0 $0xFFFFF086;
	s6 =	sadd.s32 @!p0 s3, s7;
	s7 =	simm.s32 @!p0 $0x108  }
0x21: {  	s3 =	sadd.s32 s3, s9;
	s6 =	sadd.s32 @!p0 $0x88, s6;
	s7 =	simm.s32 @p2 $0x1082  }
0x22: {  	[simem:s7], [sflag:s8] =	dma.local @!p0 [hbm:s6], $0xF7A  }
0x23: {  	s9 =	sor.u32 $0xD0000000, s2;
	s6 =	simm.s32 $0x108;
	_ =	swait.ge @!p0 [sflag:s8], $0x0  }
0x24: {  	s3 =	sadd.s32 $0x88, s3;
	s6 =	simm.s32 @!p1 $0x1082;
	[sflag:s4] =	ssyncset.s32 $0xFFFFF086  }
0x25: {  	[simem:s6], [sflag:s4] =	dma.local [hbm:s3], $0xF7A  }
0x26: {  	[smem:$0x3F97] =	sst s1;
	(tag) =	ssettag s2;
	_ =	strace s9  }
0x27: {  	s1 =	sld [smem:$0x3FA7]  }
0x28: {  	s2 =	sld [smem:$0x3FA8]  }
0x29: {  	s4 =	sld [smem:$0x3FAA]  }
0x2a: {  	p0 =	seq.s32 s5, $0x0;
	s5 =	sld [smem:$0x3FAB]  }
0x2b: {  	s6 =	sld [smem:$0x3FAC]  }
0x2c: {  	s7 =	sld [smem:$0x3FAD]  }
0x2d: {  	s3 =	simm.s32 $0x108;
	s8 =	sld [smem:$0x3FAE]  }
0x2e: {  	s3 =	simm.s32 @!p0 $0x1082;
	s9 =	sld [smem:$0x3FAF]  }
0x2f: {  	lr =	sadd.s32 s0, s3;
	s0 =	sld [smem:$0x3FA6]  }
0x30: {  	s3 =	sld [smem:$0x3FA9]  }
0x31: {  	[smem:$0x3FB2] =	sst s10  }
0x32: {  	s10 =	sld [smem:$0x3FB0];
	_ =	sdelay $0x3  }
0x33: {  	p0 =	seq.s32 s10, $0x1;
	s10 =	sld [smem:$0x3FB2];
	_ =	sdelay $0x3  }
0x34: {  	[smem:$0x3FB2] =	sst s10  }
0x35: {  	s10 =	sld [smem:$0x3FB1];
	_ =	sdelay $0x3  }
0x36: {  	p1 =	seq.s32 s10, $0x1;
	s10 =	sld [smem:$0x3FB2];
	_ =	sdelay $0x3  }
0x37: {  	[smem:$0x3FB2] =	sst s10  }
0x38: {  	s10 =	sld [smem:$0x3FB3]  }
0x39: {  	_ = 	snop;
	(pc) =	sbr.ind lr, $3  }
0x3a: {  	_ = 	snop  }
0x3b: {  	_ = 	snop  }
0x3c: {  	p2 =	seq.s32 s10, $0x1;
	s10 =	sld [smem:$0x3FB2]  }
0x3d: {  	_ =	shalt  }
0x3e: {  	_ =	shalt  }
0x3f: {  	_ =	shalt  }
0x40: {  	_ =	shalt  }
0x41: {  	_ =	shalt  }
0x42: {  	_ =	shalt  }
0x43: {  	_ =	shalt  }
0x44: {  	_ =	shalt  }
0x45: {  	_ =	shalt  }
0x46: {  	_ =	shalt  }
0x47: {  	_ =	shalt  }
0x48: {  	_ =	shalt  }
0x49: {  	_ =	shalt  }
0x4a: {  	_ =	shalt  }
0x4b: {  	_ =	shalt  }
0x4c: {  	_ =	shalt  }
0x4d: {  	_ =	shalt  }
0x4e: {  	_ =	shalt  }
0x4f: {  	_ =	shalt  }
0x50: {  	_ =	shalt  }
0x51: {  	_ =	shalt  }
0x52: {  	_ =	shalt  }
0x53: {  	_ =	shalt  }
0x54: {  	_ =	shalt  }
0x55: {  	_ =	shalt  }
0x56: {  	_ =	shalt  }
0x57: {  	_ =	shalt  }
0x58: {  	_ =	shalt  }
0x59: {  	_ =	shalt  }
0x5a: {  	_ =	shalt  }
0x5b: {  	_ =	shalt  }
0x5c: {  	_ =	shalt  }
0x5d: {  	_ =	shalt  }
0x5e: {  	_ =	shalt  }
0x5f: {  	_ =	shalt  }
0x60: {  	_ =	shalt  }
0x61: {  	_ =	shalt  }
0x62: {  	_ =	shalt  }
0x63: {  	_ =	shalt  }
0x64: {  	_ =	shalt  }
0x65: {  	_ =	shalt  }
0x66: {  	_ =	shalt  }
0x67: {  	_ =	shalt  }
0x68: {  	_ =	shalt  }
0x69: {  	_ =	shalt  }
0x6a: {  	_ =	shalt  }
0x6b: {  	_ =	shalt  }
0x6c: {  	_ =	shalt  }
0x6d: {  	_ =	shalt  }
0x6e: {  	_ =	shalt  }
0x6f: {  	_ =	shalt  }
0x70: {  	_ =	shalt  }
0x71: {  	_ =	shalt  }
0x72: {  	_ =	shalt  }
0x73: {  	_ =	shalt  }
0x74: {  	_ =	shalt  }
0x75: {  	_ =	shalt  }
0x76: {  	_ =	shalt  }
0x77: {  	_ =	shalt  }
0x78: {  	_ =	shalt  }
0x79: {  	_ =	shalt  }
0x7a: {  	_ =	shalt  }
0x7b: {  	_ =	shalt  }
0x7c: {  	_ =	shalt  }
0x7d: {  	_ =	shalt  }
0x7e: {  	_ =	shalt  }
0x7f: {  	_ =	shalt  }
0x80: {  	_ =	shalt  }
0x81: {  	_ =	shalt  }
0x82: {  	_ =	shalt  }
0x83: {  	_ =	shalt  }
0x84: {  	_ =	shalt  }
0x85: {  	_ =	shalt  }
0x86: {  	_ =	shalt  }
0x87: {  	_ =	shalt  }
.Lfunc_end0:
.L_simem_size_0:
called_computation_lowered:
.L_overlay_start_0:
0x88: {  	s2 =	sld [smem:$0x3FD9]  }
0x89: {  	s3 =	sld [smem:$0x3FFE];
	_ =	sdelay $0x1  }
0x8a: {  	s1 =	srdreg.scid  }
0x8b: {  	s0 =	sand.u32 $0x1, s1  }
0x8c: {  	s14 =	sshll.u32 s0, $0xA;
	s2 =	sadd.s32 s3, s2  }
0x8d: {  	s2 =	sadd.s32 s2, s14  }
0x8e: {  	[smem:$0x3FBE] =	sst s2  }
0x8f: {  	_ = 	snop  }
0x90: {  	s2 =	sld [smem:$0x3FD0];
	_ =	sdelay $0x2  }
0x91: {  	s15 =	simm.s32 $0xA;
	s4 =	simm.s32 $0x10  }
0x92: {  	[smem:s4], [sflag:s15] =	dma.local [hbm:s2], $0x1  }
0x93: {  	_ =	swait.eq [sflag:s15], $0x1  }
0x94: {  	[sflag:s15] =	ssyncset.done $0x0  }
0x95: {  	[sflag:s15] =	ssyncadd.s32 $0xFFFFFFFF  }
0x96: {  	s16 =	sld [smem:$0x10];
	(tm) =	ssettm $0x1  }
0x97: {  	s17 =	sld [smem:$0x3FFB];
	_ =	sdelay $0x3  }
0x98: {  	_ =	strace s17  }
0x99: {  	s3 =	sld [smem:$0x3FFC];
	_ =	sdelay $0x3  }
0x9a: {  	_ =	strace s3  }
0x9b: {  	s3 =	sld [smem:$0x3FFD];
	_ =	sdelay $0x3  }
0x9c: {  	_ =	strace s3  }
0x9d: {  	_ =	strace $0x8FFFFFFF  }
0x9e: {  	s18 =	sld [smem:$0x3FDB];
	_ =	sdelay $0x1  }
0x9f: {  	s19 =	simm.s32 $_scs_section_size  }
0xa0: {  	s5 =	simm.s32 $_size__tile_overlayer_lowered;
	s6 =	simm.s32 $_tile_overlayer_lowered  }
0xa1: {  	s22 =	simm.s32 $0x1BFF;
	s21 =	sshll.u32 s6, $0x1;
	s3 =	sadd.s32 s19, s18  }
0xa2: {  	s7 =	simm.s32 $0x0;
	s20 =	sshll.u32 s5, $0x1;
	s5 =	sadd.s32 s21, s3  }
0xa3: {  	[timem:s7], [sflag:s22] =	dma.local [hbm:s5], s20  }
0xa4: {  	_ =	swait.ge [sflag:s22], s20  }
0xa5: {  	s4 =	ssub.s32 $0x0, s20;
	[sflag:s22] =	ssyncset.done $0x0  }
0xa6: {  	[sflag:s22] =	ssyncadd.s32 s4;
	_ =	sdelay $0x1  }
0xa7: {  	s23 =	simm.s32 $0x1B8B  }
0xa8: {  	_ =	swait.ge [sflag:s23], $0x1  }
0xa9: {  	[sflag:s23] =	ssyncset.done $0x0  }
0xaa: {  	s25 =	simm.s32 $0x1B8E;
	s24 =	sld [smem:$0x3FFE];
	[sflag:s23] =	ssyncadd.s32 $0xFFFFFFFF  }
0xab: {  	s26 =	simm.s32 $execute0_lowered;
	[smem:$0x3FD2] =	sst s25  }
0xac: {  	s5 =	sshll.u32 s26, $0x1;
	_ =	strace $0x80000046;
	[dreg:$0x1] =	wrdreg $0xFFFFFFFF  }
0xad: {  	s28 =	simm.s32 $_size_execute0_lowered;
	s3 =	sadd.s32 s3, s5;
	[dreg:$0x0] =	wrdreg $0x0  }
0xae: {  	s5 =	sshll.u32 s28, $0x1;
	[dreg:$0x2] =	wrdreg s3  }
0xaf: {  	[dreg:$0x3] =	wrdreg s5  }
0xb0: {  	[dreg:$0x4] =	wrdreg $0xC0  }
0xb1: {  	_ =	task [dreg:s7], $0x5FFFF  }
0xb2: {  	[dreg:$0x1] =	wrdreg $0xFFFFFFFF  }
0xb3: {  	[dreg:$0x0] =	wrdreg $0x60  }
0xb4: {  	[dreg:$0x2] =	wrdreg s24  }
0xb5: {  	[dreg:$0x3] =	wrdreg s16  }
0xb6: {  	[dreg:$0x4] =	wrdreg $0xD0800  }
0xb7: {  	[dreg:$0x5] =	wrdreg $0x9  }
0xb8: {  	_ =	task.clear_ibuf [dreg:s7], $0x6FFFF;
	_ =	strace $0x90000046  }
0xb9: {  	s29 =	simm.s32 $0x9;
	_ =	strace $0x80000048  }
0xba: {  	_ =	swait.ge [sflag:s29], $0x1  }
0xbb: {  	[sflag:s29] =	ssyncadd.s32 $0xFFFFFFFF  }
0xbc: {  	_ =	strace $0x90000048  }
0xbd: {  	_ =	sfence  }
0xbe: {  	s30 =	sld [smem:$0x0];
	_ =	sdelay $0x2  }
0xbf: {  	s31 =	sshll.u32 s1, $0xD;
	s1 =	sshrl.u32 s1, $0x2  }
0xc0: {  	s3 =	sand.u32 $0x4000, s31;
	s1 =	sadd.s32 s1, s30  }
0xc1: {  	s0 =	sor.u32 s3, s0;
	s1 =	sshll.u32 s1, $0x11  }
0xc2: {  	s0 =	sor.u32 s1, s0  }
0xc3: {  	s0 =	sadd.s32 $0x8F2B, s0  }
0xc4: {  	[sflag:s0] =	ssyncadd.remote.s32 $0x1  }
0xc5: {  	_ =	sfence.sel $0xFFFF  }
0xc6: {  	[dreg:$0x0] =	wrdreg $0xFFFFFFFF;
	(pc) =	sbr.abs _section_cstart, $3  }
0xc7: {  	[dreg:$0x1] =	wrdreg $0xFFFFFFFF  }
0xc8: {  	_ =	task.clear_ibuf [dreg:s7], $0x2FFFF;
	_ =	strace $0x9FFFFFFF  }
0xc9: {  	(tm) =	ssettm $0x7FFFFFFF  }
tec
execute0_lowered:
.L_overlay_start_1:
0x0: {  	(tag) =	ssettag $0x1  }
0x1: {  	s5 =	rddreg [dreg:$0x0]  }
0x2: {  	s2 =	rddreg [dreg:$0x1]  }
0x3: {  	s3 =	rddreg [dreg:$0x2];
	s4 =	srdreg.scid  }
0x4: {  	s1 =	stileid.u32;
	s0 =	rddreg [dreg:$0x3];
	s11 =	simm.s32 $0x6200  }
0x5: {  	s12 =	simm.s32 $0x61A8;
	s6 =	sand.u32 $0x1, s4;
	s7 =	smul.u32 $0xC40, s1  }
0x6: {  	s4 =	simm.s32 $0x0;
	s8 =	sshll.u32 s6, $0x4;
	s9 =	smul.u32 $0xC400, s6  }
0x7: {  	s13 =	simm.s32 $0x0;
	[smem:$0x7FF] =	sst s4;
	s8 =	sor.u32 s1, s8  }
0x8: {  	s6 =	ssub.s32 $0x2, s6;
	s8 =	smul.u32 $0xC35, s8;
	s9 =	sadd.s32 s7, s9  }
0x9: {  	_ =	strace $0x80000047;
	s10 =	sshrl.u32 s6, $0x1;
	s9 =	sshrl.u32 s9, $0x3  }
0xa: {  	s10 =	ssub.s32 s6, s10;
	s8 =	sadd.s32 s8, s5;
	s9 =	sadd.s32 s9, s5  }
0xb: {  	s5 =	sadd.s32 s7, s3;
	s6 =	sadd.s32 $0x1A00, s8;
	s7 =	sadd.s32 $0x1A200, s9  }
0xc: {  	v0 =	vimm.f32 $0.0e+00;
	s8 =	smax.u32 s10, $0x1;
	s9 =	simm.s32 $0xC400;
	s10 =	simm.s32 $0x1  }
.LBB2_1:
0xd: {  	s14 =	simm.s32 $0x40;
	s15 =	simm.s32 $0x0  }
.LBB2_2:
0xe: {  	p0 =	sne.s32 s14, $0x30C0;
	[tilespmem:s15+$0xC400] =	vst v0;
	s15 =	smov.u32 s14;
	s14 =	sadd.s32 $0x40, s14  }
.Ltmp0:
0xf: {  	(pc) =	sbr.rel @p0 .LBB2_2-.Ltmp0, $2  }
0x10: {  	_ =	sdelay $0x2  }
0x11: {  	s15 =	sshra.s32 s15, $0x2  }
0x12: {  	[tilespmem:s15+$0xC400] =	vst v0  }
0x13: {  	[spmem:s5] =	stream.linear.scatter [tilespmem:s9], [sflag:$0x1], $0xC40, $0x38;
	[tilespmem:$0xDCC0] =	vst v63  }
0x14: {  	_ =	swait.ge [sflag:s10], $0xC40  }
0x15: {  	[sflag:s10] =	ssyncset.done $0x0  }
0x16: {  	[sflag:s10] =	ssyncadd.s32 $0xFFFFF3C0  }
0x17: {  	[bflag:$0x0] =	sbarrier.arrive $0xFFFF  }
0x18: {  	[tilespmem:s11], [sflag:$0x1] =	stream.linear.gather [hbm4b:s2+s4], $0x6200, $0x38;
	[tilespmem:$0xDCC0] =	vst v63  }
0x19: {  	_ =	swait.ge [sflag:s10], $0x6200  }
0x1a: {  	[sflag:s10] =	ssyncset.done $0x0  }
0x1b: {  	[sflag:s10] =	ssyncadd.s32 $0xFFFF9E00  }
0x1c: {  	[tilespmem:s4], [sflag:$0x1] =	stream.linear.gather [hbm4b:s6+s4], $0x61A8, $0x38;
	[tilespmem:$0xDCC0] =	vst v63  }
0x1d: {  	_ =	swait.ge [sflag:s10], $0x61A8  }
0x1e: {  	[sflag:s10] =	ssyncset.done $0x0  }
0x1f: {  	[sflag:s10] =	ssyncadd.s32 $0xFFFF9E58  }
0x20: {  	[spmem:s3] =	stream.indirect.scatter.add.f32 [tilespmem:s11], [sflag:$0x1], $0x1, s4, s12, $0xb8;
	[tilespmem:$0xDCC0] =	vst v63  }
0x21: {  	_ =	swait.ge [sflag:s10], $0x61A8  }
0x22: {  	[sflag:s10] =	ssyncset.done $0x0  }
0x23: {  	[sflag:s10] =	ssyncadd.s32 $0xFFFF9E58  }
0x24: {  	[bflag:$0x0] =	sbarrier.arrive $0xFFFF  }
0x25: {  	[tilespmem:s9], [sflag:$0x1] =	stream.linear.gather [spmem:s5], $0xC40, $0x38;
	[tilespmem:$0xDCC0] =	vst v63  }
0x26: {  	s13 =	sadd.s32 $0x1, s13;
	_ =	swait.ge [sflag:s10], $0xC40  }
0x27: {  	p0 =	sne.s32 s13, s8;
	[sflag:s10] =	ssyncset.done $0x0  }
.Ltmp1:
0x28: {  	[sflag:s10] =	ssyncadd.s32 $0xFFFFF3C0;
	(pc) =	sbr.rel @p0 .LBB2_1-.Ltmp1, $4  }
0x29: {  	[hbm4b:s7+s4] =	stream.linear.scatter [tilespmem:s9], [sflag:$0x1], $0xC40, $0x38;
	[tilespmem:$0xDCC0] =	vst v63  }
0x2a: {  	_ =	swait.ge [sflag:s10], $0xC40  }
0x2b: {  	[sflag:s10] =	ssyncset.done $0x0  }
0x2c: {  	[sflag:s10] =	ssyncadd.s32 $0xFFFFF3C0  }
0x2d: {  	_ =	sfence.sel $0x180000  }
0x2e: {  	[bflag:$0x0] =	sbarrier.arrive $0xFFFF  }
0x2f: {  	p0 =	sne.s32 s1, $0x0;
	_ =	strace $0x90000047  }
0x30: {  	s0 =	sadd.s32 @!p0 $0x100000, s0;
	[bflag:$0x2] =	sbarrier.arrive $0xFFFF  }
0x31: {  	[sflag:s0] =	ssyncadd.tile.s32 @!p0 $0x1;
	_ =	shalt  }
.Lfunc_end2:
_tile_overlayer_lowered:
.L_overlay_start_2:
0x32: {  	(tag) =	ssettag $0x2  }
0x33: {  	s0 =	rddreg [dreg:$0x0];
	s2 =	stileid.u32  }
0x34: {  	s1 =	rddreg [dreg:$0x1];
	p0 =	sne.s32 s2, $0x0  }
0x35: {  	s3 =	rddreg [dreg:$0x2];
	[bflag:$0x3] =	sbarrier.arrive $0xFFFF;
	s2 =	simm.s32 @!p0 $0x1C01  }
0x36: {  	[timem:s3], [sflag:s2] =	dma.local @!p0 [hbm:s0], s1  }
0x37: {  	s0 =	simm.s32 @!p0 $0x1  }
0x38: {  	_ =	swait.ge @!p0 [sflag:s0], s1  }
0x39: {  	s1 =	ssub.s32 @!p0 $0x0, s1;
	[sflag:s0] =	ssyncset.done @!p0 $0x0  }
0x3a: {  	[sflag:s0] =	ssyncadd.s32 @!p0 s1  }
0x3b: {  	[bflag:$0x3] =	sbarrier.arrive $0xFFFF  }
0x3c: {  	_ =	shalt  }

</sc_bundles>
